<compile_context>
chip_gen: v7x
topology: tpu7x:2x2x1
jax: 0.10.2.dev20260603
libtpu: 0.0.44.dev20260713+nightly
codegen_flags: <defaults>
</compile_context>

<pallas_src>
import functools

import jax
import jax.numpy as jnp
from jax import lax
from jax.experimental import pallas as pl
from jax.experimental.pallas import tpu as pltpu
from jax.experimental.pallas import tpu_sc as plsc

NC, NS = 2, 16
NW = NC * NS
CHUNK = 128
BN = 8192


QN = BN // 4


def _tpose_body(tt_ref, out_ref):
    x = tt_ref[...]
    d = x.shape[0]
    acc = None
    for q in range(4):
        xq = x[:, q * QN:(q + 1) * QN]
        eq = jnp.eye(d, 128, k=q * d, dtype=jnp.float32)
        yq = jax.lax.dot_general(
            xq, eq, (((0,), (0,)), ((), ())),
            preferred_element_type=jnp.float32,
        )
        acc = yq if acc is None else acc + yq
    out_ref[...] = acc


def _tpose(tableT):
    d, v = tableT.shape
    nblk = pl.cdiv(v, BN)
    return pl.pallas_call(
        _tpose_body,
        grid=(nblk,),
        in_specs=[pl.BlockSpec((d, BN), lambda i: (0, i))],
        out_specs=pl.BlockSpec((QN, 128), lambda i: (i, 0)),
        out_shape=jax.ShapeDtypeStruct((nblk * QN, 128), jnp.float32),
    )(tableT)


def _sc_gather(idx3, table_lin, total, d):
    nchunk = idx3.shape[1]
    mesh = plsc.VectorSubcoreMesh(
        core_axis_name="c", subcore_axis_name="s", num_cores=NC, num_subcores=NS
    )
    nbuf = 4
    assert nchunk % nbuf == 0

    def body(idx_hbm, table_hbm, out_hbm, idx_v, rows_v, sems):
        wid = lax.axis_index("s") * NC + lax.axis_index("c")
        pltpu.sync_copy(idx_hbm.at[wid], idx_v)
        base = wid * (nchunk * CHUNK)

        def step(j2, carry):
            j0 = j2 * nbuf
            cps = [
                pltpu.async_copy(
                    table_hbm.at[idx_v.at[j0 + b]], rows_v.at[b], sems.at[b]
                )
                for b in range(nbuf)
            ]
            for b in range(nbuf):
                cps[b].wait()
                pltpu.sync_copy(
                    rows_v.at[b],
                    out_hbm.at[pl.ds(base + (j0 + b) * CHUNK, CHUNK)],
                )
            return carry

        lax.fori_loop(0, nchunk // nbuf, step, 0)

    run = pl.kernel(
        body,
        out_type=jax.ShapeDtypeStruct((total, d), jnp.float32),
        mesh=mesh,
        scratch_types=[
            pltpu.VMEM((nchunk, CHUNK), jnp.int32),
            pltpu.VMEM((nbuf, CHUNK, d), jnp.float32),
            pltpu.SemaphoreType.DMA((nbuf,)),
        ],
        compiler_params=pltpu.CompilerParams(use_tc_tiling_on_sc=False),
    )
    return run(idx3, table_lin)


def _mlp_body(emb_ref, w1_ref, b1_ref, w2_ref, b2_ref, out_ref):
    h = jnp.dot(emb_ref[...], w1_ref[...], preferred_element_type=jnp.float32)
    h = jnp.maximum(h + b1_ref[...], 0.0)
    o = jnp.dot(h, w2_ref[...], preferred_element_type=jnp.float32) + b2_ref[...]
    out_ref[...] = jax.nn.sigmoid(o)


def _mlp(emb, W1, b1, W2, b2, block_m=1024):
    B, d_in = emb.shape
    d_hid = W1.shape[1]
    d_out = W2.shape[1]
    grid = (B // block_m,)
    return pl.pallas_call(
        _mlp_body,
        grid=grid,
        in_specs=[
            pl.BlockSpec((block_m, d_in), lambda i: (i, 0)),
            pl.BlockSpec((d_in, d_hid), lambda i: (0, 0)),
            pl.BlockSpec((1, d_hid), lambda i: (0, 0)),
            pl.BlockSpec((d_hid, d_out), lambda i: (0, 0)),
            pl.BlockSpec((1, d_out), lambda i: (0, 0)),
        ],
        out_specs=pl.BlockSpec((block_m, d_out), lambda i: (i, 0)),
        out_shape=jax.ShapeDtypeStruct((B, d_out), jnp.float32),
    )(emb, W1, b1.reshape(1, d_hid), W2,
      b2.reshape(1, d_out))


def kernel(input, table, W1, b1, W2, b2):
    B, K = input.shape
    V, d = table.shape
    total = B * K
    per_w = total // NW
    nchunk = per_w // CHUNK
    r = input
    fr = (r & ~(BN - 1)) + 4 * (r & (QN - 1)) + ((r & (BN - 1)) >> 11)
    idx3 = fr.reshape(NW, nchunk, CHUNK)
    tp = _tpose(table.T)
    table_lin = tp.reshape(tp.shape[0] * 4, d)
    rows = _sc_gather(idx3, table_lin, total, d)
    emb = rows.reshape(B, K * d)
    return _mlp(emb, W1, b1, W2, b2)

# --- scband reference (transcript-rebuilt; emitter-appended) ---
"""Pipeline reference for scband-embedding-classifier-88819923681393 (READ-ONLY COPY).

The authoritative reference and input builder live on the scoring server;
editing this copy changes nothing except your own understanding.
"""

import jax, jax.numpy as jnp
import numpy as np

VOCAB = 1000000
INPUT_DIM = 26
EMBED_DIM = 32
OUTPUT_DIM = 2
BATCH = 16384


def setup_inputs(seed: int = 0) -> dict:
    key = jax.random.key(seed)
    k_idx, k_tab, k_w1, k_b1, k_w2, k_b2 = jax.random.split(key, 6)
    inp = jax.random.randint(k_idx, (BATCH, INPUT_DIM), 0, VOCAB, dtype=jnp.int64 if jax.config.jax_enable_x64 else jnp.int32).astype(jnp.int32)
    table = jax.random.normal(k_tab, (VOCAB, EMBED_DIM), dtype=jnp.float32) * 0.02
    d_in = INPUT_DIM * EMBED_DIM
    d_hid = d_in * 2
    W1 = jax.random.normal(k_w1, (d_in, d_hid), dtype=jnp.float32) * (1.0 / np.sqrt(d_in))
    b1 = jax.random.normal(k_b1, (d_hid,), dtype=jnp.float32) * 0.01
    W2 = jax.random.normal(k_w2, (d_hid, OUTPUT_DIM), dtype=jnp.float32) * (1.0 / np.sqrt(d_hid))
    b2 = jax.random.normal(k_b2, (OUTPUT_DIM,), dtype=jnp.float32) * 0.01
    return {"input": inp, "table": table, "W1": W1, "b1": b1, "W2": W2, "b2": b2}


def reference(input, table, W1, b1, W2, b2):
    # nn.Embedding lookup -> gather
    embedded = jnp.take(table, input, axis=0)              # [B, INPUT_DIM, EMBED_DIM]
    embedded = embedded.reshape(input.shape[0], INPUT_DIM * EMBED_DIM)
    h = jnp.dot(embedded, W1) + b1                          # Linear 1
    h = jax.nn.relu(h)                                      # ReLU
    dense_outputs = jnp.dot(h, W2) + b2                     # Linear 2
    outputs = jax.nn.sigmoid(dense_outputs)                 # Sigmoid
    return outputs

if __name__ == "__main__":
    import jax
    _d = setup_inputs()
    print(jax.jit(kernel)(*tuple(_d.values())))

</pallas_src>

<mosaic_0001>
#map = affine_map<(d0, d1) -> (0, 0, 0)>
#map1 = affine_map<(d0, d1) -> (0, 0)>
module attributes {stable_mosaic.version = 14 : i64} {
  func.func @body(%arg0: i32, %arg1: i32, %arg2: memref<32x104x128xi32, #tpu.memory_space<hbm>>, %arg3: memref<1007616x32xf32, #tpu.memory_space<hbm>>, %arg4: memref<425984x32xf32, #tpu.memory_space<hbm>>, %arg5: memref<104x128xi32, #tpu.memory_space<vmem>>, %arg6: memref<4x128x32xf32, #tpu.memory_space<vmem>>, %arg7: memref<4x!tpu.dma_semaphore, #tpu.memory_space<semaphore_mem>>) attributes {dimension_semantics = [#tpu.dimension_semantics<core_parallel>, #tpu.dimension_semantics<subcore_parallel>], iteration_bounds = array<i64: 2, 16>, scalar_prefetch = 0 : i64, scratch_operands = 3 : i64, tpu.core_type = #tpu.core_type<sc_vector_subcore>, window_params = [{transform_indices = #map}, {transform_indices = #map1}, {transform_indices = #map1}]} {
    %mul3A = arith.constant 2 : i32
    %mul3A_0 = arith.muli %arg1, %mul3A : i32
    %add3A = arith.addi %mul3A_0, %arg0 : i32
    "tpu.region"() ({
      %run_scoped3A = tpu.sem_alloc : memref<!tpu.dma_semaphore, #tpu.memory_space<semaphore_mem>>
      %dma_start3A = arith.constant 0 : i32
      %dma_start3A_8 = arith.constant 0 : i32
      %dma_start3A_9 = tpu.memref_slice %arg2[%add3A, %dma_start3A, %dma_start3A_8] : memref<32x104x128xi32, #tpu.memory_space<hbm>> -> memref<1x104x128xi32, #tpu.memory_space<hbm>>
      %dma_start3A_10 = tpu.memref_squeeze %dma_start3A_9 : memref<1x104x128xi32, #tpu.memory_space<hbm>> -> memref<104x128xi32, #tpu.memory_space<hbm>>
      %dma_start3A_11 = arith.constant 0 : i32
      %dma_start3A_12 = arith.constant 0 : i32
      %dma_start3A_13 = tpu.memref_slice %arg2[%add3A, %dma_start3A_11, %dma_start3A_12] : memref<32x104x128xi32, #tpu.memory_space<hbm>> -> memref<1x104x128xi32, #tpu.memory_space<hbm>>
      %dma_start3A_14 = tpu.memref_squeeze %dma_start3A_13 : memref<1x104x128xi32, #tpu.memory_space<hbm>> -> memref<104x128xi32, #tpu.memory_space<hbm>>
      tpu.enqueue_dma source(%dma_start3A_14 : memref<104x128xi32, #tpu.memory_space<hbm>>) target(%arg5 : memref<104x128xi32, #tpu.memory_space<vmem>>) target_semaphore(%run_scoped3A : memref<!tpu.dma_semaphore, #tpu.memory_space<semaphore_mem>>)
      %dma_wait3A = arith.constant 0 : i32
      %dma_wait3A_15 = arith.constant 0 : i32
      %dma_wait3A_16 = tpu.memref_slice %arg2[%add3A, %dma_wait3A, %dma_wait3A_15] : memref<32x104x128xi32, #tpu.memory_space<hbm>> -> memref<1x104x128xi32, #tpu.memory_space<hbm>>
      %dma_wait3A_17 = tpu.memref_squeeze %dma_wait3A_16 : memref<1x104x128xi32, #tpu.memory_space<hbm>> -> memref<104x128xi32, #tpu.memory_space<hbm>>
      %dma_wait3A_18 = arith.constant 0 : i32
      %dma_wait3A_19 = arith.constant 0 : i32
      %dma_wait3A_20 = tpu.memref_slice %arg2[%add3A, %dma_wait3A_18, %dma_wait3A_19] : memref<32x104x128xi32, #tpu.memory_space<hbm>> -> memref<1x104x128xi32, #tpu.memory_space<hbm>>
      %dma_wait3A_21 = tpu.memref_squeeze %dma_wait3A_20 : memref<1x104x128xi32, #tpu.memory_space<hbm>> -> memref<104x128xi32, #tpu.memory_space<hbm>>
      tpu.wait_dma2 semaphore(%run_scoped3A : memref<!tpu.dma_semaphore, #tpu.memory_space<semaphore_mem>>) src(%dma_wait3A_21 : memref<104x128xi32, #tpu.memory_space<hbm>>) dst(%arg5 : memref<104x128xi32, #tpu.memory_space<vmem>>)
      tpu.yield
    }) : () -> ()
    %mul3A_1 = arith.constant 13312 : i32
    %mul3A_2 = arith.muli %add3A, %mul3A_1 : i32
    %scan3A = arith.constant 0 : i32
    %scan3A_3 = arith.constant 0 : i32
    %scan3A_4 = arith.constant 26 : i32
    %scan3A_5 = arith.addi %scan3A_3, %scan3A_4 : i32
    %scan3A_6 = arith.constant 1 : i32
    scf.for %scan3A_8 = %scan3A_3 to %scan3A_5 step %scan3A_6  : i32 {
      %mul3A_9 = arith.constant 4 : i32
      %mul3A_10 = arith.muli %scan3A_8, %mul3A_9 : i32
      %add3A_11 = arith.constant 0 : i32
      %add3A_12 = arith.addi %mul3A_10, %add3A_11 : i32
      %dma_start3A = arith.constant 0 : i32
      %dma_start3A_13 = arith.constant 0 : i32
      %dma_start3A_14 = arith.constant 0 : i32
      %dma_start3A_15 = arith.constant 0 : i32
      %dma_start3A_16 = tpu.memref_slice %arg6[%dma_start3A, %dma_start3A_14, %dma_start3A_15] : memref<4x128x32xf32, #tpu.memory_space<vmem>> -> memref<1x128x32xf32, #tpu.memory_space<vmem>>
      %dma_start3A_17 = tpu.memref_squeeze %dma_start3A_16 : memref<1x128x32xf32, #tpu.memory_space<vmem>> -> memref<128x32xf32, #tpu.memory_space<vmem>>
      %dma_start3A_18 = arith.constant 0 : i32
      %dma_start3A_19 = tpu.memref_slice %arg5[%add3A_12, %dma_start3A_18] : memref<104x128xi32, #tpu.memory_space<vmem>> -> memref<1x128xi32, #tpu.memory_space<vmem>>
      %dma_start3A_20 = tpu.memref_squeeze %dma_start3A_19 : memref<1x128xi32, #tpu.memory_space<vmem>> -> memref<128xi32, #tpu.memory_space<vmem>>
      %dma_start3A_21 = arith.constant 0 : i32
      %dma_start3A_22 = arith.constant 0 : i32
      %dma_start3A_23 = tpu.memref_slice %arg3[%dma_start3A_21, %dma_start3A_22] : memref<1007616x32xf32, #tpu.memory_space<hbm>> -> memref<1007616x32xf32, #tpu.memory_space<hbm>>
      %dma_start3A_24 = tpu.memref_slice %arg7[%dma_start3A_13] : memref<4x!tpu.dma_semaphore, #tpu.memory_space<semaphore_mem>> -> memref<1x!tpu.dma_semaphore, #tpu.memory_space<semaphore_mem>>
      %dma_start3A_25 = tpu.memref_squeeze %dma_start3A_24 : memref<1x!tpu.dma_semaphore, #tpu.memory_space<semaphore_mem>> -> memref<!tpu.dma_semaphore, #tpu.memory_space<semaphore_mem>>
      tpu.enqueue_indirect_dma source(%dma_start3A_23 : memref<1007616x32xf32, #tpu.memory_space<hbm>>) target(%dma_start3A_17 : memref<128x32xf32, #tpu.memory_space<vmem>>) offsets(%dma_start3A_20 : memref<128xi32, #tpu.memory_space<vmem>>) semaphore(%dma_start3A_25 : memref<!tpu.dma_semaphore, #tpu.memory_space<semaphore_mem>>)
      %add3A_26 = arith.constant 1 : i32
      %add3A_27 = arith.addi %mul3A_10, %add3A_26 : i32
      %dma_start3A_28 = arith.constant 1 : i32
      %dma_start3A_29 = arith.constant 1 : i32
      %dma_start3A_30 = arith.constant 0 : i32
      %dma_start3A_31 = arith.constant 0 : i32
      %dma_start3A_32 = tpu.memref_slice %arg6[%dma_start3A_28, %dma_start3A_30, %dma_start3A_31] : memref<4x128x32xf32, #tpu.memory_space<vmem>> -> memref<1x128x32xf32, #tpu.memory_space<vmem>>
      %dma_start3A_33 = tpu.memref_squeeze %dma_start3A_32 : memref<1x128x32xf32, #tpu.memory_space<vmem>> -> memref<128x32xf32, #tpu.memory_space<vmem>>
      %dma_start3A_34 = arith.constant 0 : i32
      %dma_start3A_35 = tpu.memref_slice %arg5[%add3A_27, %dma_start3A_34] : memref<104x128xi32, #tpu.memory_space<vmem>> -> memref<1x128xi32, #tpu.memory_space<vmem>>
      %dma_start3A_36 = tpu.memref_squeeze %dma_start3A_35 : memref<1x128xi32, #tpu.memory_space<vmem>> -> memref<128xi32, #tpu.memory_space<vmem>>
      %dma_start3A_37 = arith.constant 0 : i32
      %dma_start3A_38 = arith.constant 0 : i32
      %dma_start3A_39 = tpu.memref_slice %arg3[%dma_start3A_37, %dma_start3A_38] : memref<1007616x32xf32, #tpu.memory_space<hbm>> -> memref<1007616x32xf32, #tpu.memory_space<hbm>>
      %dma_start3A_40 = tpu.memref_slice %arg7[%dma_start3A_29] : memref<4x!tpu.dma_semaphore, #tpu.memory_space<semaphore_mem>> -> memref<1x!tpu.dma_semaphore, #tpu.memory_space<semaphore_mem>>
      %dma_start3A_41 = tpu.memref_squeeze %dma_start3A_40 : memref<1x!tpu.dma_semaphore, #tpu.memory_space<semaphore_mem>> -> memref<!tpu.dma_semaphore, #tpu.memory_space<semaphore_mem>>
      tpu.enqueue_indirect_dma source(%dma_start3A_39 : memref<1007616x32xf32, #tpu.memory_space<hbm>>) target(%dma_start3A_33 : memref<128x32xf32, #tpu.memory_space<vmem>>) offsets(%dma_start3A_36 : memref<128xi32, #tpu.memory_space<vmem>>) semaphore(%dma_start3A_41 : memref<!tpu.dma_semaphore, #tpu.memory_space<semaphore_mem>>)
      %add3A_42 = arith.constant 2 : i32
      %add3A_43 = arith.addi %mul3A_10, %add3A_42 : i32
      %dma_start3A_44 = arith.constant 2 : i32
      %dma_start3A_45 = arith.constant 2 : i32
      %dma_start3A_46 = arith.constant 0 : i32
      %dma_start3A_47 = arith.constant 0 : i32
      %dma_start3A_48 = tpu.memref_slice %arg6[%dma_start3A_44, %dma_start3A_46, %dma_start3A_47] : memref<4x128x32xf32, #tpu.memory_space<vmem>> -> memref<1x128x32xf32, #tpu.memory_space<vmem>>
      %dma_start3A_49 = tpu.memref_squeeze %dma_start3A_48 : memref<1x128x32xf32, #tpu.memory_space<vmem>> -> memref<128x32xf32, #tpu.memory_space<vmem>>
      %dma_start3A_50 = arith.constant 0 : i32
      %dma_start3A_51 = tpu.memref_slice %arg5[%add3A_43, %dma_start3A_50] : memref<104x128xi32, #tpu.memory_space<vmem>> -> memref<1x128xi32, #tpu.memory_space<vmem>>
      %dma_start3A_52 = tpu.memref_squeeze %dma_start3A_51 : memref<1x128xi32, #tpu.memory_space<vmem>> -> memref<128xi32, #tpu.memory_space<vmem>>
      %dma_start3A_53 = arith.constant 0 : i32
      %dma_start3A_54 = arith.constant 0 : i32
      %dma_start3A_55 = tpu.memref_slice %arg3[%dma_start3A_53, %dma_start3A_54] : memref<1007616x32xf32, #tpu.memory_space<hbm>> -> memref<1007616x32xf32, #tpu.memory_space<hbm>>
      %dma_start3A_56 = tpu.memref_slice %arg7[%dma_start3A_45] : memref<4x!tpu.dma_semaphore, #tpu.memory_space<semaphore_mem>> -> memref<1x!tpu.dma_semaphore, #tpu.memory_space<semaphore_mem>>
      %dma_start3A_57 = tpu.memref_squeeze %dma_start3A_56 : memref<1x!tpu.dma_semaphore, #tpu.memory_space<semaphore_mem>> -> memref<!tpu.dma_semaphore, #tpu.memory_space<semaphore_mem>>
      tpu.enqueue_indirect_dma source(%dma_start3A_55 : memref<1007616x32xf32, #tpu.memory_space<hbm>>) target(%dma_start3A_49 : memref<128x32xf32, #tpu.memory_space<vmem>>) offsets(%dma_start3A_52 : memref<128xi32, #tpu.memory_space<vmem>>) semaphore(%dma_start3A_57 : memref<!tpu.dma_semaphore, #tpu.memory_space<semaphore_mem>>)
      %add3A_58 = arith.constant 3 : i32
      %add3A_59 = arith.addi %mul3A_10, %add3A_58 : i32
      %dma_start3A_60 = arith.constant 3 : i32
      %dma_start3A_61 = arith.constant 3 : i32
      %dma_start3A_62 = arith.constant 0 : i32
      %dma_start3A_63 = arith.constant 0 : i32
      %dma_start3A_64 = tpu.memref_slice %arg6[%dma_start3A_60, %dma_start3A_62, %dma_start3A_63] : memref<4x128x32xf32, #tpu.memory_space<vmem>> -> memref<1x128x32xf32, #tpu.memory_space<vmem>>
      %dma_start3A_65 = tpu.memref_squeeze %dma_start3A_64 : memref<1x128x32xf32, #tpu.memory_space<vmem>> -> memref<128x32xf32, #tpu.memory_space<vmem>>
      %dma_start3A_66 = arith.constant 0 : i32
      %dma_start3A_67 = tpu.memref_slice %arg5[%add3A_59, %dma_start3A_66] : memref<104x128xi32, #tpu.memory_space<vmem>> -> memref<1x128xi32, #tpu.memory_space<vmem>>
      %dma_start3A_68 = tpu.memref_squeeze %dma_start3A_67 : memref<1x128xi32, #tpu.memory_space<vmem>> -> memref<128xi32, #tpu.memory_space<vmem>>
      %dma_start3A_69 = arith.constant 0 : i32
      %dma_start3A_70 = arith.constant 0 : i32
      %dma_start3A_71 = tpu.memref_slice %arg3[%dma_start3A_69, %dma_start3A_70] : memref<1007616x32xf32, #tpu.memory_space<hbm>> -> memref<1007616x32xf32, #tpu.memory_space<hbm>>
      %dma_start3A_72 = tpu.memref_slice %arg7[%dma_start3A_61] : memref<4x!tpu.dma_semaphore, #tpu.memory_space<semaphore_mem>> -> memref<1x!tpu.dma_semaphore, #tpu.memory_space<semaphore_mem>>
      %dma_start3A_73 = tpu.memref_squeeze %dma_start3A_72 : memref<1x!tpu.dma_semaphore, #tpu.memory_space<semaphore_mem>> -> memref<!tpu.dma_semaphore, #tpu.memory_space<semaphore_mem>>
      tpu.enqueue_indirect_dma source(%dma_start3A_71 : memref<1007616x32xf32, #tpu.memory_space<hbm>>) target(%dma_start3A_65 : memref<128x32xf32, #tpu.memory_space<vmem>>) offsets(%dma_start3A_68 : memref<128xi32, #tpu.memory_space<vmem>>) semaphore(%dma_start3A_73 : memref<!tpu.dma_semaphore, #tpu.memory_space<semaphore_mem>>)
      %dma_wait3A = arith.constant 0 : i32
      %dma_wait3A_74 = arith.constant 0 : i32
      %dma_wait3A_75 = arith.constant 0 : i32
      %dma_wait3A_76 = arith.constant 0 : i32
      %dma_wait3A_77 = tpu.memref_slice %arg6[%dma_wait3A, %dma_wait3A_75, %dma_wait3A_76] : memref<4x128x32xf32, #tpu.memory_space<vmem>> -> memref<1x128x32xf32, #tpu.memory_space<vmem>>
      %dma_wait3A_78 = tpu.memref_squeeze %dma_wait3A_77 : memref<1x128x32xf32, #tpu.memory_space<vmem>> -> memref<128x32xf32, #tpu.memory_space<vmem>>
      %dma_wait3A_79 = arith.constant 0 : i32
      %dma_wait3A_80 = tpu.memref_slice %arg5[%add3A_12, %dma_wait3A_79] : memref<104x128xi32, #tpu.memory_space<vmem>> -> memref<1x128xi32, #tpu.memory_space<vmem>>
      %dma_wait3A_81 = tpu.memref_squeeze %dma_wait3A_80 : memref<1x128xi32, #tpu.memory_space<vmem>> -> memref<128xi32, #tpu.memory_space<vmem>>
      %dma_wait3A_82 = arith.constant 0 : i32
      %dma_wait3A_83 = arith.constant 0 : i32
      %dma_wait3A_84 = tpu.memref_slice %arg3[%dma_wait3A_82, %dma_wait3A_83] : memref<1007616x32xf32, #tpu.memory_space<hbm>> -> memref<1007616x32xf32, #tpu.memory_space<hbm>>
      %dma_wait3A_85 = tpu.memref_slice %arg7[%dma_wait3A_74] : memref<4x!tpu.dma_semaphore, #tpu.memory_space<semaphore_mem>> -> memref<1x!tpu.dma_semaphore, #tpu.memory_space<semaphore_mem>>
      %dma_wait3A_86 = tpu.memref_squeeze %dma_wait3A_85 : memref<1x!tpu.dma_semaphore, #tpu.memory_space<semaphore_mem>> -> memref<!tpu.dma_semaphore, #tpu.memory_space<semaphore_mem>>
      tpu.wait_indirect_dma semaphore(%dma_wait3A_86 : memref<!tpu.dma_semaphore, #tpu.memory_space<semaphore_mem>>) src(%dma_wait3A_84 : memref<1007616x32xf32, #tpu.memory_space<hbm>>) dst(%dma_wait3A_78 : memref<128x32xf32, #tpu.memory_space<vmem>>)
      %add3A_87 = arith.constant 0 : i32
      %add3A_88 = arith.addi %mul3A_10, %add3A_87 : i32
      %mul3A_89 = arith.constant 128 : i32
      %mul3A_90 = arith.muli %add3A_88, %mul3A_89 : i32
      %add3A_91 = arith.addi %mul3A_2, %mul3A_90 : i32
      %run_scoped3A = arith.constant 0 : i32
      "tpu.region"() ({
        %run_scoped3A_152 = tpu.sem_alloc : memref<!tpu.dma_semaphore, #tpu.memory_space<semaphore_mem>>
        %dma_start3A_153 = arith.constant 0 : i32
        %dma_start3A_154 = arith.constant 0 : i32
        %dma_start3A_155 = tpu.memref_slice %arg6[%run_scoped3A, %dma_start3A_153, %dma_start3A_154] : memref<4x128x32xf32, #tpu.memory_space<vmem>> -> memref<1x128x32xf32, #tpu.memory_space<vmem>>
        %dma_start3A_156 = tpu.memref_squeeze %dma_start3A_155 : memref<1x128x32xf32, #tpu.memory_space<vmem>> -> memref<128x32xf32, #tpu.memory_space<vmem>>
        %dma_start3A_157 = arith.constant 0 : i32
        %dma_start3A_158 = tpu.memref_slice %arg4[%add3A_91, %dma_start3A_157] : memref<425984x32xf32, #tpu.memory_space<hbm>> -> memref<128x32xf32, #tpu.memory_space<hbm>>
        %dma_start3A_159 = arith.constant 0 : i32
        %dma_start3A_160 = tpu.memref_slice %arg4[%add3A_91, %dma_start3A_159] : memref<425984x32xf32, #tpu.memory_space<hbm>> -> memref<128x32xf32, #tpu.memory_space<hbm>>
        %dma_start3A_161 = arith.constant 0 : i32
        %dma_start3A_162 = arith.constant 0 : i32
        %dma_start3A_163 = tpu.memref_slice %arg6[%run_scoped3A, %dma_start3A_161, %dma_start3A_162] : memref<4x128x32xf32, #tpu.memory_space<vmem>> -> memref<1x128x32xf32, #tpu.memory_space<vmem>>
        %dma_start3A_164 = tpu.memref_squeeze %dma_start3A_163 : memref<1x128x32xf32, #tpu.memory_space<vmem>> -> memref<128x32xf32, #tpu.memory_space<vmem>>
        tpu.enqueue_dma source(%dma_start3A_164 : memref<128x32xf32, #tpu.memory_space<vmem>>) target(%dma_start3A_160 : memref<128x32xf32, #tpu.memory_space<hbm>>) target_semaphore(%run_scoped3A_152 : memref<!tpu.dma_semaphore, #tpu.memory_space<semaphore_mem>>)
        %dma_wait3A_165 = arith.constant 0 : i32
        %dma_wait3A_166 = arith.constant 0 : i32
        %dma_wait3A_167 = tpu.memref_slice %arg6[%run_scoped3A, %dma_wait3A_165, %dma_wait3A_166] : memref<4x128x32xf32, #tpu.memory_space<vmem>> -> memref<1x128x32xf32, #tpu.memory_space<vmem>>
        %dma_wait3A_168 = tpu.memref_squeeze %dma_wait3A_167 : memref<1x128x32xf32, #tpu.memory_space<vmem>> -> memref<128x32xf32, #tpu.memory_space<vmem>>
        %dma_wait3A_169 = arith.constant 0 : i32
        %dma_wait3A_170 = tpu.memref_slice %arg4[%add3A_91, %dma_wait3A_169] : memref<425984x32xf32, #tpu.memory_space<hbm>> -> memref<128x32xf32, #tpu.memory_space<hbm>>
        %dma_wait3A_171 = arith.constant 0 : i32
        %dma_wait3A_172 = tpu.memref_slice %arg4[%add3A_91, %dma_wait3A_171] : memref<425984x32xf32, #tpu.memory_space<hbm>> -> memref<128x32xf32, #tpu.memory_space<hbm>>
        %dma_wait3A_173 = arith.constant 0 : i32
        %dma_wait3A_174 = arith.constant 0 : i32
        %dma_wait3A_175 = tpu.memref_slice %arg6[%run_scoped3A, %dma_wait3A_173, %dma_wait3A_174] : memref<4x128x32xf32, #tpu.memory_space<vmem>> -> memref<1x128x32xf32, #tpu.memory_space<vmem>>
        %dma_wait3A_176 = tpu.memref_squeeze %dma_wait3A_175 : memref<1x128x32xf32, #tpu.memory_space<vmem>> -> memref<128x32xf32, #tpu.memory_space<vmem>>
        tpu.wait_dma2 semaphore(%run_scoped3A_152 : memref<!tpu.dma_semaphore, #tpu.memory_space<semaphore_mem>>) src(%dma_wait3A_176 : memref<128x32xf32, #tpu.memory_space<vmem>>) dst(%dma_wait3A_172 : memref<128x32xf32, #tpu.memory_space<hbm>>)
        tpu.yield
      }) : () -> ()
      %dma_wait3A_92 = arith.constant 1 : i32
      %dma_wait3A_93 = arith.constant 1 : i32
      %dma_wait3A_94 = arith.constant 0 : i32
      %dma_wait3A_95 = arith.constant 0 : i32
      %dma_wait3A_96 = tpu.memref_slice %arg6[%dma_wait3A_92, %dma_wait3A_94, %dma_wait3A_95] : memref<4x128x32xf32, #tpu.memory_space<vmem>> -> memref<1x128x32xf32, #tpu.memory_space<vmem>>
      %dma_wait3A_97 = tpu.memref_squeeze %dma_wait3A_96 : memref<1x128x32xf32, #tpu.memory_space<vmem>> -> memref<128x32xf32, #tpu.memory_space<vmem>>
      %dma_wait3A_98 = arith.constant 0 : i32
      %dma_wait3A_99 = tpu.memref_slice %arg5[%add3A_27, %dma_wait3A_98] : memref<104x128xi32, #tpu.memory_space<vmem>> -> memref<1x128xi32, #tpu.memory_space<vmem>>
      %dma_wait3A_100 = tpu.memref_squeeze %dma_wait3A_99 : memref<1x128xi32, #tpu.memory_space<vmem>> -> memref<128xi32, #tpu.memory_space<vmem>>
      %dma_wait3A_101 = arith.constant 0 : i32
      %dma_wait3A_102 = arith.constant 0 : i32
      %dma_wait3A_103 = tpu.memref_slice %arg3[%dma_wait3A_101, %dma_wait3A_102] : memref<1007616x32xf32, #tpu.memory_space<hbm>> -> memref<1007616x32xf32, #tpu.memory_space<hbm>>
      %dma_wait3A_104 = tpu.memref_slice %arg7[%dma_wait3A_93] : memref<4x!tpu.dma_semaphore, #tpu.memory_space<semaphore_mem>> -> memref<1x!tpu.dma_semaphore, #tpu.memory_space<semaphore_mem>>
      %dma_wait3A_105 = tpu.memref_squeeze %dma_wait3A_104 : memref<1x!tpu.dma_semaphore, #tpu.memory_space<semaphore_mem>> -> memref<!tpu.dma_semaphore, #tpu.memory_space<semaphore_mem>>
      tpu.wait_indirect_dma semaphore(%dma_wait3A_105 : memref<!tpu.dma_semaphore, #tpu.memory_space<semaphore_mem>>) src(%dma_wait3A_103 : memref<1007616x32xf32, #tpu.memory_space<hbm>>) dst(%dma_wait3A_97 : memref<128x32xf32, #tpu.memory_space<vmem>>)
      %add3A_106 = arith.constant 1 : i32
      %add3A_107 = arith.addi %mul3A_10, %add3A_106 : i32
      %mul3A_108 = arith.constant 128 : i32
      %mul3A_109 = arith.muli %add3A_107, %mul3A_108 : i32
      %add3A_110 = arith.addi %mul3A_2, %mul3A_109 : i32
      %run_scoped3A_111 = arith.constant 1 : i32
      "tpu.region"() ({
        %run_scoped3A_152 = tpu.sem_alloc : memref<!tpu.dma_semaphore, #tpu.memory_space<semaphore_mem>>
        %dma_start3A_153 = arith.constant 0 : i32
        %dma_start3A_154 = arith.constant 0 : i32
        %dma_start3A_155 = tpu.memref_slice %arg6[%run_scoped3A_111, %dma_start3A_153, %dma_start3A_154] : memref<4x128x32xf32, #tpu.memory_space<vmem>> -> memref<1x128x32xf32, #tpu.memory_space<vmem>>
        %dma_start3A_156 = tpu.memref_squeeze %dma_start3A_155 : memref<1x128x32xf32, #tpu.memory_space<vmem>> -> memref<128x32xf32, #tpu.memory_space<vmem>>
        %dma_start3A_157 = arith.constant 0 : i32
        %dma_start3A_158 = tpu.memref_slice %arg4[%add3A_110, %dma_start3A_157] : memref<425984x32xf32, #tpu.memory_space<hbm>> -> memref<128x32xf32, #tpu.memory_space<hbm>>
        %dma_start3A_159 = arith.constant 0 : i32
        %dma_start3A_160 = tpu.memref_slice %arg4[%add3A_110, %dma_start3A_159] : memref<425984x32xf32, #tpu.memory_space<hbm>> -> memref<128x32xf32, #tpu.memory_space<hbm>>
        %dma_start3A_161 = arith.constant 0 : i32
        %dma_start3A_162 = arith.constant 0 : i32
        %dma_start3A_163 = tpu.memref_slice %arg6[%run_scoped3A_111, %dma_start3A_161, %dma_start3A_162] : memref<4x128x32xf32, #tpu.memory_space<vmem>> -> memref<1x128x32xf32, #tpu.memory_space<vmem>>
        %dma_start3A_164 = tpu.memref_squeeze %dma_start3A_163 : memref<1x128x32xf32, #tpu.memory_space<vmem>> -> memref<128x32xf32, #tpu.memory_space<vmem>>
        tpu.enqueue_dma source(%dma_start3A_164 : memref<128x32xf32, #tpu.memory_space<vmem>>) target(%dma_start3A_160 : memref<128x32xf32, #tpu.memory_space<hbm>>) target_semaphore(%run_scoped3A_152 : memref<!tpu.dma_semaphore, #tpu.memory_space<semaphore_mem>>)
        %dma_wait3A_165 = arith.constant 0 : i32
        %dma_wait3A_166 = arith.constant 0 : i32
        %dma_wait3A_167 = tpu.memref_slice %arg6[%run_scoped3A_111, %dma_wait3A_165, %dma_wait3A_166] : memref<4x128x32xf32, #tpu.memory_space<vmem>> -> memref<1x128x32xf32, #tpu.memory_space<vmem>>
        %dma_wait3A_168 = tpu.memref_squeeze %dma_wait3A_167 : memref<1x128x32xf32, #tpu.memory_space<vmem>> -> memref<128x32xf32, #tpu.memory_space<vmem>>
        %dma_wait3A_169 = arith.constant 0 : i32
        %dma_wait3A_170 = tpu.memref_slice %arg4[%add3A_110, %dma_wait3A_169] : memref<425984x32xf32, #tpu.memory_space<hbm>> -> memref<128x32xf32, #tpu.memory_space<hbm>>
        %dma_wait3A_171 = arith.constant 0 : i32
        %dma_wait3A_172 = tpu.memref_slice %arg4[%add3A_110, %dma_wait3A_171] : memref<425984x32xf32, #tpu.memory_space<hbm>> -> memref<128x32xf32, #tpu.memory_space<hbm>>
        %dma_wait3A_173 = arith.constant 0 : i32
        %dma_wait3A_174 = arith.constant 0 : i32
        %dma_wait3A_175 = tpu.memref_slice %arg6[%run_scoped3A_111, %dma_wait3A_173, %dma_wait3A_174] : memref<4x128x32xf32, #tpu.memory_space<vmem>> -> memref<1x128x32xf32, #tpu.memory_space<vmem>>
        %dma_wait3A_176 = tpu.memref_squeeze %dma_wait3A_175 : memref<1x128x32xf32, #tpu.memory_space<vmem>> -> memref<128x32xf32, #tpu.memory_space<vmem>>
        tpu.wait_dma2 semaphore(%run_scoped3A_152 : memref<!tpu.dma_semaphore, #tpu.memory_space<semaphore_mem>>) src(%dma_wait3A_176 : memref<128x32xf32, #tpu.memory_space<vmem>>) dst(%dma_wait3A_172 : memref<128x32xf32, #tpu.memory_space<hbm>>)
        tpu.yield
      }) : () -> ()
      %dma_wait3A_112 = arith.constant 2 : i32
      %dma_wait3A_113 = arith.constant 2 : i32
      %dma_wait3A_114 = arith.constant 0 : i32
      %dma_wait3A_115 = arith.constant 0 : i32
      %dma_wait3A_116 = tpu.memref_slice %arg6[%dma_wait3A_112, %dma_wait3A_114, %dma_wait3A_115] : memref<4x128x32xf32, #tpu.memory_space<vmem>> -> memref<1x128x32xf32, #tpu.memory_space<vmem>>
      %dma_wait3A_117 = tpu.memref_squeeze %dma_wait3A_116 : memref<1x128x32xf32, #tpu.memory_space<vmem>> -> memref<128x32xf32, #tpu.memory_space<vmem>>
      %dma_wait3A_118 = arith.constant 0 : i32
      %dma_wait3A_119 = tpu.memref_slice %arg5[%add3A_43, %dma_wait3A_118] : memref<104x128xi32, #tpu.memory_space<vmem>> -> memref<1x128xi32, #tpu.memory_space<vmem>>
      %dma_wait3A_120 = tpu.memref_squeeze %dma_wait3A_119 : memref<1x128xi32, #tpu.memory_space<vmem>> -> memref<128xi32, #tpu.memory_space<vmem>>
      %dma_wait3A_121 = arith.constant 0 : i32
      %dma_wait3A_122 = arith.constant 0 : i32
      %dma_wait3A_123 = tpu.memref_slice %arg3[%dma_wait3A_121, %dma_wait3A_122] : memref<1007616x32xf32, #tpu.memory_space<hbm>> -> memref<1007616x32xf32, #tpu.memory_space<hbm>>
      %dma_wait3A_124 = tpu.memref_slice %arg7[%dma_wait3A_113] : memref<4x!tpu.dma_semaphore, #tpu.memory_space<semaphore_mem>> -> memref<1x!tpu.dma_semaphore, #tpu.memory_space<semaphore_mem>>
      %dma_wait3A_125 = tpu.memref_squeeze %dma_wait3A_124 : memref<1x!tpu.dma_semaphore, #tpu.memory_space<semaphore_mem>> -> memref<!tpu.dma_semaphore, #tpu.memory_space<semaphore_mem>>
      tpu.wait_indirect_dma semaphore(%dma_wait3A_125 : memref<!tpu.dma_semaphore, #tpu.memory_space<semaphore_mem>>) src(%dma_wait3A_123 : memref<1007616x32xf32, #tpu.memory_space<hbm>>) dst(%dma_wait3A_117 : memref<128x32xf32, #tpu.memory_space<vmem>>)
      %add3A_126 = arith.constant 2 : i32
      %add3A_127 = arith.addi %mul3A_10, %add3A_126 : i32
      %mul3A_128 = arith.constant 128 : i32
      %mul3A_129 = arith.muli %add3A_127, %mul3A_128 : i32
      %add3A_130 = arith.addi %mul3A_2, %mul3A_129 : i32
      %run_scoped3A_131 = arith.constant 2 : i32
      "tpu.region"() ({
        %run_scoped3A_152 = tpu.sem_alloc : memref<!tpu.dma_semaphore, #tpu.memory_space<semaphore_mem>>
        %dma_start3A_153 = arith.constant 0 : i32
        %dma_start3A_154 = arith.constant 0 : i32
        %dma_start3A_155 = tpu.memref_slice %arg6[%run_scoped3A_131, %dma_start3A_153, %dma_start3A_154] : memref<4x128x32xf32, #tpu.memory_space<vmem>> -> memref<1x128x32xf32, #tpu.memory_space<vmem>>
        %dma_start3A_156 = tpu.memref_squeeze %dma_start3A_155 : memref<1x128x32xf32, #tpu.memory_space<vmem>> -> memref<128x32xf32, #tpu.memory_space<vmem>>
        %dma_start3A_157 = arith.constant 0 : i32
        %dma_start3A_158 = tpu.memref_slice %arg4[%add3A_130, %dma_start3A_157] : memref<425984x32xf32, #tpu.memory_space<hbm>> -> memref<128x32xf32, #tpu.memory_space<hbm>>
        %dma_start3A_159 = arith.constant 0 : i32
        %dma_start3A_160 = tpu.memref_slice %arg4[%add3A_130, %dma_start3A_159] : memref<425984x32xf32, #tpu.memory_space<hbm>> -> memref<128x32xf32, #tpu.memory_space<hbm>>
        %dma_start3A_161 = arith.constant 0 : i32
        %dma_start3A_162 = arith.constant 0 : i32
        %dma_start3A_163 = tpu.memref_slice %arg6[%run_scoped3A_131, %dma_start3A_161, %dma_start3A_162] : memref<4x128x32xf32, #tpu.memory_space<vmem>> -> memref<1x128x32xf32, #tpu.memory_space<vmem>>
        %dma_start3A_164 = tpu.memref_squeeze %dma_start3A_163 : memref<1x128x32xf32, #tpu.memory_space<vmem>> -> memref<128x32xf32, #tpu.memory_space<vmem>>
        tpu.enqueue_dma source(%dma_start3A_164 : memref<128x32xf32, #tpu.memory_space<vmem>>) target(%dma_start3A_160 : memref<128x32xf32, #tpu.memory_space<hbm>>) target_semaphore(%run_scoped3A_152 : memref<!tpu.dma_semaphore, #tpu.memory_space<semaphore_mem>>)
        %dma_wait3A_165 = arith.constant 0 : i32
        %dma_wait3A_166 = arith.constant 0 : i32
        %dma_wait3A_167 = tpu.memref_slice %arg6[%run_scoped3A_131, %dma_wait3A_165, %dma_wait3A_166] : memref<4x128x32xf32, #tpu.memory_space<vmem>> -> memref<1x128x32xf32, #tpu.memory_space<vmem>>
        %dma_wait3A_168 = tpu.memref_squeeze %dma_wait3A_167 : memref<1x128x32xf32, #tpu.memory_space<vmem>> -> memref<128x32xf32, #tpu.memory_space<vmem>>
        %dma_wait3A_169 = arith.constant 0 : i32
        %dma_wait3A_170 = tpu.memref_slice %arg4[%add3A_130, %dma_wait3A_169] : memref<425984x32xf32, #tpu.memory_space<hbm>> -> memref<128x32xf32, #tpu.memory_space<hbm>>
        %dma_wait3A_171 = arith.constant 0 : i32
        %dma_wait3A_172 = tpu.memref_slice %arg4[%add3A_130, %dma_wait3A_171] : memref<425984x32xf32, #tpu.memory_space<hbm>> -> memref<128x32xf32, #tpu.memory_space<hbm>>
        %dma_wait3A_173 = arith.constant 0 : i32
        %dma_wait3A_174 = arith.constant 0 : i32
        %dma_wait3A_175 = tpu.memref_slice %arg6[%run_scoped3A_131, %dma_wait3A_173, %dma_wait3A_174] : memref<4x128x32xf32, #tpu.memory_space<vmem>> -> memref<1x128x32xf32, #tpu.memory_space<vmem>>
        %dma_wait3A_176 = tpu.memref_squeeze %dma_wait3A_175 : memref<1x128x32xf32, #tpu.memory_space<vmem>> -> memref<128x32xf32, #tpu.memory_space<vmem>>
        tpu.wait_dma2 semaphore(%run_scoped3A_152 : memref<!tpu.dma_semaphore, #tpu.memory_space<semaphore_mem>>) src(%dma_wait3A_176 : memref<128x32xf32, #tpu.memory_space<vmem>>) dst(%dma_wait3A_172 : memref<128x32xf32, #tpu.memory_space<hbm>>)
        tpu.yield
      }) : () -> ()
      %dma_wait3A_132 = arith.constant 3 : i32
      %dma_wait3A_133 = arith.constant 3 : i32
      %dma_wait3A_134 = arith.constant 0 : i32
      %dma_wait3A_135 = arith.constant 0 : i32
      %dma_wait3A_136 = tpu.memref_slice %arg6[%dma_wait3A_132, %dma_wait3A_134, %dma_wait3A_135] : memref<4x128x32xf32, #tpu.memory_space<vmem>> -> memref<1x128x32xf32, #tpu.memory_space<vmem>>
      %dma_wait3A_137 = tpu.memref_squeeze %dma_wait3A_136 : memref<1x128x32xf32, #tpu.memory_space<vmem>> -> memref<128x32xf32, #tpu.memory_space<vmem>>
      %dma_wait3A_138 = arith.constant 0 : i32
      %dma_wait3A_139 = tpu.memref_slice %arg5[%add3A_59, %dma_wait3A_138] : memref<104x128xi32, #tpu.memory_space<vmem>> -> memref<1x128xi32, #tpu.memory_space<vmem>>
      %dma_wait3A_140 = tpu.memref_squeeze %dma_wait3A_139 : memref<1x128xi32, #tpu.memory_space<vmem>> -> memref<128xi32, #tpu.memory_space<vmem>>
      %dma_wait3A_141 = arith.constant 0 : i32
      %dma_wait3A_142 = arith.constant 0 : i32
      %dma_wait3A_143 = tpu.memref_slice %arg3[%dma_wait3A_141, %dma_wait3A_142] : memref<1007616x32xf32, #tpu.memory_space<hbm>> -> memref<1007616x32xf32, #tpu.memory_space<hbm>>
      %dma_wait3A_144 = tpu.memref_slice %arg7[%dma_wait3A_133] : memref<4x!tpu.dma_semaphore, #tpu.memory_space<semaphore_mem>> -> memref<1x!tpu.dma_semaphore, #tpu.memory_space<semaphore_mem>>
      %dma_wait3A_145 = tpu.memref_squeeze %dma_wait3A_144 : memref<1x!tpu.dma_semaphore, #tpu.memory_space<semaphore_mem>> -> memref<!tpu.dma_semaphore, #tpu.memory_space<semaphore_mem>>
      tpu.wait_indirect_dma semaphore(%dma_wait3A_145 : memref<!tpu.dma_semaphore, #tpu.memory_space<semaphore_mem>>) src(%dma_wait3A_143 : memref<1007616x32xf32, #tpu.memory_space<hbm>>) dst(%dma_wait3A_137 : memref<128x32xf32, #tpu.memory_space<vmem>>)
      %add3A_146 = arith.constant 3 : i32
      %add3A_147 = arith.addi %mul3A_10, %add3A_146 : i32
      %mul3A_148 = arith.constant 128 : i32
      %mul3A_149 = arith.muli %add3A_147, %mul3A_148 : i32
      %add3A_150 = arith.addi %mul3A_2, %mul3A_149 : i32
      %run_scoped3A_151 = arith.constant 3 : i32
      "tpu.region"() ({
        %run_scoped3A_152 = tpu.sem_alloc : memref<!tpu.dma_semaphore, #tpu.memory_space<semaphore_mem>>
        %dma_start3A_153 = arith.constant 0 : i32
        %dma_start3A_154 = arith.constant 0 : i32
        %dma_start3A_155 = tpu.memref_slice %arg6[%run_scoped3A_151, %dma_start3A_153, %dma_start3A_154] : memref<4x128x32xf32, #tpu.memory_space<vmem>> -> memref<1x128x32xf32, #tpu.memory_space<vmem>>
        %dma_start3A_156 = tpu.memref_squeeze %dma_start3A_155 : memref<1x128x32xf32, #tpu.memory_space<vmem>> -> memref<128x32xf32, #tpu.memory_space<vmem>>
        %dma_start3A_157 = arith.constant 0 : i32
        %dma_start3A_158 = tpu.memref_slice %arg4[%add3A_150, %dma_start3A_157] : memref<425984x32xf32, #tpu.memory_space<hbm>> -> memref<128x32xf32, #tpu.memory_space<hbm>>
        %dma_start3A_159 = arith.constant 0 : i32
        %dma_start3A_160 = tpu.memref_slice %arg4[%add3A_150, %dma_start3A_159] : memref<425984x32xf32, #tpu.memory_space<hbm>> -> memref<128x32xf32, #tpu.memory_space<hbm>>
        %dma_start3A_161 = arith.constant 0 : i32
        %dma_start3A_162 = arith.constant 0 : i32
        %dma_start3A_163 = tpu.memref_slice %arg6[%run_scoped3A_151, %dma_start3A_161, %dma_start3A_162] : memref<4x128x32xf32, #tpu.memory_space<vmem>> -> memref<1x128x32xf32, #tpu.memory_space<vmem>>
        %dma_start3A_164 = tpu.memref_squeeze %dma_start3A_163 : memref<1x128x32xf32, #tpu.memory_space<vmem>> -> memref<128x32xf32, #tpu.memory_space<vmem>>
        tpu.enqueue_dma source(%dma_start3A_164 : memref<128x32xf32, #tpu.memory_space<vmem>>) target(%dma_start3A_160 : memref<128x32xf32, #tpu.memory_space<hbm>>) target_semaphore(%run_scoped3A_152 : memref<!tpu.dma_semaphore, #tpu.memory_space<semaphore_mem>>)
        %dma_wait3A_165 = arith.constant 0 : i32
        %dma_wait3A_166 = arith.constant 0 : i32
        %dma_wait3A_167 = tpu.memref_slice %arg6[%run_scoped3A_151, %dma_wait3A_165, %dma_wait3A_166] : memref<4x128x32xf32, #tpu.memory_space<vmem>> -> memref<1x128x32xf32, #tpu.memory_space<vmem>>
        %dma_wait3A_168 = tpu.memref_squeeze %dma_wait3A_167 : memref<1x128x32xf32, #tpu.memory_space<vmem>> -> memref<128x32xf32, #tpu.memory_space<vmem>>
        %dma_wait3A_169 = arith.constant 0 : i32
        %dma_wait3A_170 = tpu.memref_slice %arg4[%add3A_150, %dma_wait3A_169] : memref<425984x32xf32, #tpu.memory_space<hbm>> -> memref<128x32xf32, #tpu.memory_space<hbm>>
        %dma_wait3A_171 = arith.constant 0 : i32
        %dma_wait3A_172 = tpu.memref_slice %arg4[%add3A_150, %dma_wait3A_171] : memref<425984x32xf32, #tpu.memory_space<hbm>> -> memref<128x32xf32, #tpu.memory_space<hbm>>
        %dma_wait3A_173 = arith.constant 0 : i32
        %dma_wait3A_174 = arith.constant 0 : i32
        %dma_wait3A_175 = tpu.memref_slice %arg6[%run_scoped3A_151, %dma_wait3A_173, %dma_wait3A_174] : memref<4x128x32xf32, #tpu.memory_space<vmem>> -> memref<1x128x32xf32, #tpu.memory_space<vmem>>
        %dma_wait3A_176 = tpu.memref_squeeze %dma_wait3A_175 : memref<1x128x32xf32, #tpu.memory_space<vmem>> -> memref<128x32xf32, #tpu.memory_space<vmem>>
        tpu.wait_dma2 semaphore(%run_scoped3A_152 : memref<!tpu.dma_semaphore, #tpu.memory_space<semaphore_mem>>) src(%dma_wait3A_176 : memref<128x32xf32, #tpu.memory_space<vmem>>) dst(%dma_wait3A_172 : memref<128x32xf32, #tpu.memory_space<hbm>>)
        tpu.yield
      }) : () -> ()
    }
    %scan3A_7 = arith.constant 26 : i32
    return
  }
}

module attributes {stable_mosaic.version = 14 : i64} {
  func.func @_tpose_body(%arg0: i32, %arg1: memref<32x8192xf32, #tpu.memory_space<vmem>>, %arg2: memref<2048x128xf32, #tpu.memory_space<vmem>>) attributes {dimension_semantics = [#tpu.dimension_semantics<arbitrary>], iteration_bounds = array<i64: 123>, scalar_prefetch = 0 : i64, scratch_operands = 0 : i64, tpu.core_type = #tpu.core_type<tc>, window_params = [{transform_indices = @transform_0, window_bounds = array<i64: 32, 8192>}, {transform_indices = @transform_1, window_bounds = array<i64: 2048, 128>}]} {
    %get3A = arith.constant 0 : index
    %get3A_0 = arith.constant 0 : index
    %get3A_1 = vector.load %arg1[%get3A, %get3A_0] : memref<32x8192xf32, #tpu.memory_space<vmem>>, vector<32x8192xf32>
    %slice3A = vector.extract_strided_slice %get3A_1 {offsets = [0, 0], sizes = [32, 2048], strides = [1, 1]} : vector<32x8192xf32> to vector<32x2048xf32>
    %iota3A = tpu.iota {dimensions = array<i32: 0>} : vector<32x128xi32>
    %iota3A_2 = tpu.iota {dimensions = array<i32: 1>} : vector<32x128xi32>
    %add3A = arith.constant 0 : i32
    %add3A_3 = vector.broadcast %add3A : i32 to vector<32x128xi32>
    %add3A_4 = arith.addi %iota3A, %add3A_3 : vector<32x128xi32>
    %eq3A = arith.cmpi eq, %add3A_4, %iota3A_2 : vector<32x128xi32>
    %convert_element_type3A = arith.extui %eq3A : vector<32x128xi1> to vector<32x128xi32>
    %convert_element_type3A_5 = arith.sitofp %convert_element_type3A : vector<32x128xi32> to vector<32x128xf32>
    %dot_general3A = arith.constant dense<0.000000e+00> : vector<2048x128xf32>
    %dot_general3A_6 = tpu.matmul %slice3A, %convert_element_type3A_5, %dot_general3A {dimension_numbers = #tpu.dot_dimension_numbers<[0], [0], [1], [1], [0, 1, 1, 1], [], []>, transpose_lhs_hint = false} : vector<32x2048xf32>, vector<32x128xf32>, vector<2048x128xf32> -> vector<2048x128xf32>
    %slice3A_7 = vector.extract_strided_slice %get3A_1 {offsets = [0, 2048], sizes = [32, 2048], strides = [1, 1]} : vector<32x8192xf32> to vector<32x2048xf32>
    %iota3A_8 = tpu.iota {dimensions = array<i32: 0>} : vector<32x128xi32>
    %iota3A_9 = tpu.iota {dimensions = array<i32: 1>} : vector<32x128xi32>
    %add3A_10 = arith.constant 32 : i32
    %add3A_11 = vector.broadcast %add3A_10 : i32 to vector<32x128xi32>
    %add3A_12 = arith.addi %iota3A_8, %add3A_11 : vector<32x128xi32>
    %eq3A_13 = arith.cmpi eq, %add3A_12, %iota3A_9 : vector<32x128xi32>
    %convert_element_type3A_14 = arith.extui %eq3A_13 : vector<32x128xi1> to vector<32x128xi32>
    %convert_element_type3A_15 = arith.sitofp %convert_element_type3A_14 : vector<32x128xi32> to vector<32x128xf32>
    %dot_general3A_16 = arith.constant dense<0.000000e+00> : vector<2048x128xf32>
    %dot_general3A_17 = tpu.matmul %slice3A_7, %convert_element_type3A_15, %dot_general3A_16 {dimension_numbers = #tpu.dot_dimension_numbers<[0], [0], [1], [1], [0, 1, 1, 1], [], []>, transpose_lhs_hint = false} : vector<32x2048xf32>, vector<32x128xf32>, vector<2048x128xf32> -> vector<2048x128xf32>
    %add3A_18 = arith.addf %dot_general3A_6, %dot_general3A_17 : vector<2048x128xf32>
    %slice3A_19 = vector.extract_strided_slice %get3A_1 {offsets = [0, 4096], sizes = [32, 2048], strides = [1, 1]} : vector<32x8192xf32> to vector<32x2048xf32>
    %iota3A_20 = tpu.iota {dimensions = array<i32: 0>} : vector<32x128xi32>
    %iota3A_21 = tpu.iota {dimensions = array<i32: 1>} : vector<32x128xi32>
    %add3A_22 = arith.constant 64 : i32
    %add3A_23 = vector.broadcast %add3A_22 : i32 to vector<32x128xi32>
    %add3A_24 = arith.addi %iota3A_20, %add3A_23 : vector<32x128xi32>
    %eq3A_25 = arith.cmpi eq, %add3A_24, %iota3A_21 : vector<32x128xi32>
    %convert_element_type3A_26 = arith.extui %eq3A_25 : vector<32x128xi1> to vector<32x128xi32>
    %convert_element_type3A_27 = arith.sitofp %convert_element_type3A_26 : vector<32x128xi32> to vector<32x128xf32>
    %dot_general3A_28 = arith.constant dense<0.000000e+00> : vector<2048x128xf32>
    %dot_general3A_29 = tpu.matmul %slice3A_19, %convert_element_type3A_27, %dot_general3A_28 {dimension_numbers = #tpu.dot_dimension_numbers<[0], [0], [1], [1], [0, 1, 1, 1], [], []>, transpose_lhs_hint = false} : vector<32x2048xf32>, vector<32x128xf32>, vector<2048x128xf32> -> vector<2048x128xf32>
    %add3A_30 = arith.addf %add3A_18, %dot_general3A_29 : vector<2048x128xf32>
    %slice3A_31 = vector.extract_strided_slice %get3A_1 {offsets = [0, 6144], sizes = [32, 2048], strides = [1, 1]} : vector<32x8192xf32> to vector<32x2048xf32>
    %iota3A_32 = tpu.iota {dimensions = array<i32: 0>} : vector<32x128xi32>
    %iota3A_33 = tpu.iota {dimensions = array<i32: 1>} : vector<32x128xi32>
    %add3A_34 = arith.constant 96 : i32
    %add3A_35 = vector.broadcast %add3A_34 : i32 to vector<32x128xi32>
    %add3A_36 = arith.addi %iota3A_32, %add3A_35 : vector<32x128xi32>
    %eq3A_37 = arith.cmpi eq, %add3A_36, %iota3A_33 : vector<32x128xi32>
    %convert_element_type3A_38 = arith.extui %eq3A_37 : vector<32x128xi1> to vector<32x128xi32>
    %convert_element_type3A_39 = arith.sitofp %convert_element_type3A_38 : vector<32x128xi32> to vector<32x128xf32>
    %dot_general3A_40 = arith.constant dense<0.000000e+00> : vector<2048x128xf32>
    %dot_general3A_41 = tpu.matmul %slice3A_31, %convert_element_type3A_39, %dot_general3A_40 {dimension_numbers = #tpu.dot_dimension_numbers<[0], [0], [1], [1], [0, 1, 1, 1], [], []>, transpose_lhs_hint = false} : vector<32x2048xf32>, vector<32x128xf32>, vector<2048x128xf32> -> vector<2048x128xf32>
    %add3A_42 = arith.addf %add3A_30, %dot_general3A_41 : vector<2048x128xf32>
    %swap3A = arith.constant 0 : index
    %swap3A_43 = arith.constant 0 : index
    %swap3A_44 = vector.load %arg2[%swap3A, %swap3A_43] : memref<2048x128xf32, #tpu.memory_space<vmem>>, vector<2048x128xf32>
    tpu.vector_store %arg2[%swap3A, %swap3A_43], %add3A_42 {strides = array<i32>} : memref<2048x128xf32, #tpu.memory_space<vmem>>, vector<2048x128xf32>,
    return
  }
  func.func @transform_0(%arg0: i32) -> (i32, i32) {
    %c0_i32 = arith.constant 0 : i32
    %c0_i32_0 = arith.constant 0 : i32
    return %c0_i32, %arg0 : i32, i32
  }
  func.func @transform_1(%arg0: i32) -> (i32, i32) {
    %c0_i32 = arith.constant 0 : i32
    %c0_i32_0 = arith.constant 0 : i32
    return %arg0, %c0_i32 : i32, i32
  }
}

module attributes {stable_mosaic.version = 14 : i64} {
  func.func @_mlp_body(%arg0: i32, %arg1: memref<1024x832xf32, #tpu.memory_space<vmem>>, %arg2: memref<832x1664xf32, #tpu.memory_space<vmem>>, %arg3: memref<1x1664xf32, #tpu.memory_space<vmem>>, %arg4: memref<1664x2xf32, #tpu.memory_space<vmem>>, %arg5: memref<1x2xf32, #tpu.memory_space<vmem>>, %arg6: memref<1024x2xf32, #tpu.memory_space<vmem>>) attributes {dimension_semantics = [#tpu.dimension_semantics<arbitrary>], iteration_bounds = array<i64: 16>, scalar_prefetch = 0 : i64, scratch_operands = 0 : i64, tpu.core_type = #tpu.core_type<tc>, window_params = [{transform_indices = @transform_0, window_bounds = array<i64: 1024, 832>}, {pipeline_mode = #tpu.pipeline_mode<synchronous>, transform_indices = @transform_1, window_bounds = array<i64: 832, 1664>}, {pipeline_mode = #tpu.pipeline_mode<synchronous>, transform_indices = @transform_2, window_bounds = array<i64: 1, 1664>}, {pipeline_mode = #tpu.pipeline_mode<synchronous>, transform_indices = @transform_3, window_bounds = array<i64: 1664, 2>}, {pipeline_mode = #tpu.pipeline_mode<synchronous>, transform_indices = @transform_4, window_bounds = array<i64: 1, 2>}, {transform_indices = @transform_5, window_bounds = array<i64: 1024, 2>}]} {
    %get3A = arith.constant 0 : index
    %get3A_0 = arith.constant 0 : index
    %get3A_1 = vector.load %arg1[%get3A, %get3A_0] : memref<1024x832xf32, #tpu.memory_space<vmem>>, vector<1024x832xf32>
    %get3A_2 = arith.constant 0 : index
    %get3A_3 = arith.constant 0 : index
    %get3A_4 = vector.load %arg2[%get3A_2, %get3A_3] : memref<832x1664xf32, #tpu.memory_space<vmem>>, vector<832x1664xf32>
    %dot_general3A = arith.constant dense<0.000000e+00> : vector<1024x1664xf32>
    %dot_general3A_5 = tpu.matmul %get3A_1, %get3A_4, %dot_general3A {dimension_numbers = #tpu.dot_dimension_numbers<[1], [0], [0], [1], [0, 0, 1, 1], [], []>, transpose_lhs_hint = false} : vector<1024x832xf32>, vector<832x1664xf32>, vector<1024x1664xf32> -> vector<1024x1664xf32>
    %get3A_6 = arith.constant 0 : index
    %get3A_7 = arith.constant 0 : index
    %get3A_8 = vector.load %arg3[%get3A_6, %get3A_7] : memref<1x1664xf32, #tpu.memory_space<vmem>>, vector<1x1664xf32>
    %add3A = vector.broadcast %get3A_8 : vector<1x1664xf32> to vector<1024x1664xf32>
    %add3A_9 = arith.addf %dot_general3A_5, %add3A : vector<1024x1664xf32>
    %max3A = arith.constant 0.000000e+00 : f32
    %max3A_10 = vector.broadcast %max3A : f32 to vector<1024x1664xf32>
    %max3A_11 = arith.maximumf %add3A_9, %max3A_10 : vector<1024x1664xf32>
    %get3A_12 = arith.constant 0 : index
    %get3A_13 = arith.constant 0 : index
    %get3A_14 = vector.load %arg4[%get3A_12, %get3A_13] : memref<1664x2xf32, #tpu.memory_space<vmem>>, vector<1664x2xf32>
    %dot_general3A_15 = arith.constant dense<0.000000e+00> : vector<1024x2xf32>
    %dot_general3A_16 = tpu.matmul %max3A_11, %get3A_14, %dot_general3A_15 {dimension_numbers = #tpu.dot_dimension_numbers<[1], [0], [0], [1], [0, 0, 1, 1], [], []>, transpose_lhs_hint = false} : vector<1024x1664xf32>, vector<1664x2xf32>, vector<1024x2xf32> -> vector<1024x2xf32>
    %get3A_17 = arith.constant 0 : index
    %get3A_18 = arith.constant 0 : index
    %get3A_19 = vector.load %arg5[%get3A_17, %get3A_18] : memref<1x2xf32, #tpu.memory_space<vmem>>, vector<1x2xf32>
    %add3A_20 = vector.broadcast %get3A_19 : vector<1x2xf32> to vector<1024x2xf32>
    %add3A_21 = arith.addf %dot_general3A_16, %add3A_20 : vector<1024x2xf32>
    %logistic3A = arith.negf %add3A_21 : vector<1024x2xf32>
    %logistic3A_22 = math.exp %logistic3A : vector<1024x2xf32>
    %logistic3A_23 = arith.constant 1.000000e+00 : f32
    %logistic3A_24 = vector.broadcast %logistic3A_23 : f32 to vector<1024x2xf32>
    %logistic3A_25 = arith.addf %logistic3A_24, %logistic3A_22 : vector<1024x2xf32>
    %logistic3A_26 = arith.divf %logistic3A_24, %logistic3A_25 : vector<1024x2xf32>
    %swap3A = arith.constant 0 : index
    %swap3A_27 = arith.constant 0 : index
    %swap3A_28 = vector.load %arg6[%swap3A, %swap3A_27] : memref<1024x2xf32, #tpu.memory_space<vmem>>, vector<1024x2xf32>
    tpu.vector_store %arg6[%swap3A, %swap3A_27], %logistic3A_26 {strides = array<i32>} : memref<1024x2xf32, #tpu.memory_space<vmem>>, vector<1024x2xf32>,
    return
  }
  func.func @transform_0(%arg0: i32) -> (i32, i32) {
    %c0_i32 = arith.constant 0 : i32
    %c0_i32_0 = arith.constant 0 : i32
    return %arg0, %c0_i32 : i32, i32
  }
  func.func @transform_1(%arg0: i32) -> (i32, i32) {
    %c0_i32 = arith.constant 0 : i32
    %c0_i32_0 = arith.constant 0 : i32
    %c0_i32_1 = arith.constant 0 : i32
    return %c0_i32, %c0_i32_0 : i32, i32
  }
  func.func @transform_2(%arg0: i32) -> (i32, i32) {
    %c0_i32 = arith.constant 0 : i32
    %c0_i32_0 = arith.constant 0 : i32
    %c0_i32_1 = arith.constant 0 : i32
    return %c0_i32, %c0_i32_0 : i32, i32
  }
  func.func @transform_3(%arg0: i32) -> (i32, i32) {
    %c0_i32 = arith.constant 0 : i32
    %c0_i32_0 = arith.constant 0 : i32
    %c0_i32_1 = arith.constant 0 : i32
    return %c0_i32, %c0_i32_0 : i32, i32
  }
  func.func @transform_4(%arg0: i32) -> (i32, i32) {
    %c0_i32 = arith.constant 0 : i32
    %c0_i32_0 = arith.constant 0 : i32
    %c0_i32_1 = arith.constant 0 : i32
    return %c0_i32, %c0_i32_0 : i32, i32
  }
  func.func @transform_5(%arg0: i32) -> (i32, i32) {
    %c0_i32 = arith.constant 0 : i32
    %c0_i32_0 = arith.constant 0 : i32
    return %arg0, %c0_i32 : i32, i32
  }
}

</mosaic_0001>

<sc_bundles>
// kernel: kernel.5.cloned.1.call-start
scs
__scs_entry_jumppad:
0x0: {  	(pc) =	sbr.rel $0x88, $3  }
0x1: {  	(tag) =	ssettag $0x0;
	lr =	simm.s32 $0x1  }
0x2: {  	[smem:$0x3F9B] =	sst lr;
	_ =	strace $0xD0000000  }
0x3: {  	_ = 	snop  }
0x4: {  	_ = 	snop  }
0x5: {  	_ = 	snop  }
0x6: {  	_ = 	snop  }
0x7: {  	_ = 	snop  }
__scs_overlays_trampoline_lowered:
0x8: {  	[smem:$0x3FAA] =	sst s0  }
0x9: {  	[smem:$0x3FAB] =	sst s1  }
0xa: {  	[smem:$0x3FAC] =	sst s2  }
0xb: {  	[smem:$0x3FAD] =	sst s3  }
0xc: {  	[smem:$0x3FAE] =	sst s4  }
0xd: {  	[smem:$0x3FAF] =	sst s5  }
0xe: {  	[smem:$0x3FB0] =	sst s6  }
0xf: {  	[smem:$0x3FB1] =	sst s7  }
0x10: {  	[smem:$0x3FB2] =	sst s8  }
0x11: {  	[smem:$0x3FB3] =	sst s9;
	s0 =	simm.s32 @!p0 $0x0  }
0x12: {  	s1 =	sld [smem:$0x3F99];
	s0 =	simm.s32 @p0 $0x1  }
0x13: {  	[smem:$0x3FB4] =	sst s0;
	s0 =	simm.s32 @!p1 $0x0  }
0x14: {  	s2 =	sld [smem:$0x3F98];
	s0 =	simm.s32 @p1 $0x1  }
0x15: {  	[smem:$0x3FB5] =	sst s0;
	s0 =	simm.s32 @!p2 $0x0  }
0x16: {  	s3 =	sld [smem:$0x3FDB];
	s0 =	simm.s32 @p2 $0x1  }
0x17: {  	s4 =	simm.s32 $0x1BF5;
	[smem:$0x3FB7] =	sst s0  }
0x18: {  	s0 =	sld [smem:$0x3F9A];
	_ =	swait.ge [sflag:s4], $0x0  }
0x19: {  	s7 =	sld [smem:$0x3F9B]  }
0x1a: {  	s8 =	sadd.s32 $0xFFFFE003, lr  }
0x1b: {  	s9 =	sadd.s32 $0xFFFFFEF7, lr;
	s5 =	simm.s32 $0xFFFFFFFF;
	p2 =	slt.u32 s8, $0xFFFFF086  }
0x1c: {  	p1 =	slt.u32 s9, $0xF7A;
	s5 =	simm.s32 @!p2 $0x0  }
0x1d: {  	s5 =	simm.s32 @p1 $0x1;
	p0 =	seq.s32 s7, s2  }
0x1e: {  	s7 =	smul.u32 @!p0 $0xF7A, s2;
	p2 =	seq.s32 @!p0 s5, $0x0  }
0x1f: {  	s9 =	smul.u32 $0xF7A, s1;
	s8 =	simm.s32 @!p0 $0x1BF5;
	p2 =	por !p2, p0  }
0x20: {  	[sflag:s8] =	ssyncset.s32 @!p0 $0xFFFFF086;
	s6 =	sadd.s32 @!p0 s3, s7;
	s7 =	simm.s32 @!p0 $0x108  }
0x21: {  	s3 =	sadd.s32 s3, s9;
	s6 =	sadd.s32 @!p0 $0x88, s6;
	s7 =	simm.s32 @p2 $0x1082  }
0x22: {  	[simem:s7], [sflag:s8] =	dma.local @!p0 [hbm:s6], $0xF7A  }
0x23: {  	s9 =	sor.u32 $0xD0000000, s2;
	s6 =	simm.s32 $0x108;
	_ =	swait.ge @!p0 [sflag:s8], $0x0  }
0x24: {  	s3 =	sadd.s32 $0x88, s3;
	s6 =	simm.s32 @!p1 $0x1082;
	[sflag:s4] =	ssyncset.s32 $0xFFFFF086  }
0x25: {  	[simem:s6], [sflag:s4] =	dma.local [hbm:s3], $0xF7A  }
0x26: {  	[smem:$0x3F9B] =	sst s1;
	(tag) =	ssettag s2;
	_ =	strace s9  }
0x27: {  	s1 =	sld [smem:$0x3FAB]  }
0x28: {  	s2 =	sld [smem:$0x3FAC]  }
0x29: {  	s4 =	sld [smem:$0x3FAE]  }
0x2a: {  	p0 =	seq.s32 s5, $0x0;
	s5 =	sld [smem:$0x3FAF]  }
0x2b: {  	s6 =	sld [smem:$0x3FB0]  }
0x2c: {  	s7 =	sld [smem:$0x3FB1]  }
0x2d: {  	s3 =	simm.s32 $0x108;
	s8 =	sld [smem:$0x3FB2]  }
0x2e: {  	s3 =	simm.s32 @!p0 $0x1082;
	s9 =	sld [smem:$0x3FB3]  }
0x2f: {  	lr =	sadd.s32 s0, s3;
	s0 =	sld [smem:$0x3FAA]  }
0x30: {  	s3 =	sld [smem:$0x3FAD]  }
0x31: {  	[smem:$0x3FB6] =	sst s10  }
0x32: {  	s10 =	sld [smem:$0x3FB4];
	_ =	sdelay $0x3  }
0x33: {  	p0 =	seq.s32 s10, $0x1;
	s10 =	sld [smem:$0x3FB6];
	_ =	sdelay $0x3  }
0x34: {  	[smem:$0x3FB6] =	sst s10  }
0x35: {  	s10 =	sld [smem:$0x3FB5];
	_ =	sdelay $0x3  }
0x36: {  	p1 =	seq.s32 s10, $0x1;
	s10 =	sld [smem:$0x3FB6];
	_ =	sdelay $0x3  }
0x37: {  	[smem:$0x3FB6] =	sst s10  }
0x38: {  	s10 =	sld [smem:$0x3FB7]  }
0x39: {  	_ = 	snop;
	(pc) =	sbr.ind lr, $3  }
0x3a: {  	_ = 	snop  }
0x3b: {  	_ = 	snop  }
0x3c: {  	p2 =	seq.s32 s10, $0x1;
	s10 =	sld [smem:$0x3FB6]  }
0x3d: {  	_ =	shalt  }
0x3e: {  	_ =	shalt  }
0x3f: {  	_ =	shalt  }
0x40: {  	_ =	shalt  }
0x41: {  	_ =	shalt  }
0x42: {  	_ =	shalt  }
0x43: {  	_ =	shalt  }
0x44: {  	_ =	shalt  }
0x45: {  	_ =	shalt  }
0x46: {  	_ =	shalt  }
0x47: {  	_ =	shalt  }
0x48: {  	_ =	shalt  }
0x49: {  	_ =	shalt  }
0x4a: {  	_ =	shalt  }
0x4b: {  	_ =	shalt  }
0x4c: {  	_ =	shalt  }
0x4d: {  	_ =	shalt  }
0x4e: {  	_ =	shalt  }
0x4f: {  	_ =	shalt  }
0x50: {  	_ =	shalt  }
0x51: {  	_ =	shalt  }
0x52: {  	_ =	shalt  }
0x53: {  	_ =	shalt  }
0x54: {  	_ =	shalt  }
0x55: {  	_ =	shalt  }
0x56: {  	_ =	shalt  }
0x57: {  	_ =	shalt  }
0x58: {  	_ =	shalt  }
0x59: {  	_ =	shalt  }
0x5a: {  	_ =	shalt  }
0x5b: {  	_ =	shalt  }
0x5c: {  	_ =	shalt  }
0x5d: {  	_ =	shalt  }
0x5e: {  	_ =	shalt  }
0x5f: {  	_ =	shalt  }
0x60: {  	_ =	shalt  }
0x61: {  	_ =	shalt  }
0x62: {  	_ =	shalt  }
0x63: {  	_ =	shalt  }
0x64: {  	_ =	shalt  }
0x65: {  	_ =	shalt  }
0x66: {  	_ =	shalt  }
0x67: {  	_ =	shalt  }
0x68: {  	_ =	shalt  }
0x69: {  	_ =	shalt  }
0x6a: {  	_ =	shalt  }
0x6b: {  	_ =	shalt  }
0x6c: {  	_ =	shalt  }
0x6d: {  	_ =	shalt  }
0x6e: {  	_ =	shalt  }
0x6f: {  	_ =	shalt  }
0x70: {  	_ =	shalt  }
0x71: {  	_ =	shalt  }
0x72: {  	_ =	shalt  }
0x73: {  	_ =	shalt  }
0x74: {  	_ =	shalt  }
0x75: {  	_ =	shalt  }
0x76: {  	_ =	shalt  }
0x77: {  	_ =	shalt  }
0x78: {  	_ =	shalt  }
0x79: {  	_ =	shalt  }
0x7a: {  	_ =	shalt  }
0x7b: {  	_ =	shalt  }
0x7c: {  	_ =	shalt  }
0x7d: {  	_ =	shalt  }
0x7e: {  	_ =	shalt  }
0x7f: {  	_ =	shalt  }
0x80: {  	_ =	shalt  }
0x81: {  	_ =	shalt  }
0x82: {  	_ =	shalt  }
0x83: {  	_ =	shalt  }
0x84: {  	_ =	shalt  }
0x85: {  	_ =	shalt  }
0x86: {  	_ =	shalt  }
0x87: {  	_ =	shalt  }
.Lfunc_end0:
.L_simem_size_0:
called_computation_lowered:
.L_overlay_start_0:
0x88: {  	s2 =	sld [smem:$0x3FD9]  }
0x89: {  	s3 =	sld [smem:$0x3FFE];
	_ =	sdelay $0x1  }
0x8a: {  	s1 =	srdreg.scid  }
0x8b: {  	s0 =	sand.u32 $0x1, s1  }
0x8c: {  	s16 =	sshll.u32 s0, $0xA;
	s2 =	sadd.s32 s3, s2  }
0x8d: {  	s2 =	sadd.s32 s2, s16  }
0x8e: {  	[smem:$0x3FC2] =	sst s2  }
0x8f: {  	_ = 	snop  }
0x90: {  	(tm) =	ssettm $0x1  }
0x91: {  	s17 =	sld [smem:$0x3FFB];
	_ =	sdelay $0x3  }
0x92: {  	_ =	strace s17  }
0x93: {  	s2 =	sld [smem:$0x3FFC];
	_ =	sdelay $0x3  }
0x94: {  	_ =	strace s2  }
0x95: {  	s2 =	sld [smem:$0x3FFD];
	_ =	sdelay $0x3  }
0x96: {  	_ =	strace s2  }
0x97: {  	_ =	strace $0x8FFFFFFF  }
0x98: {  	s18 =	sld [smem:$0x3FDB];
	_ =	sdelay $0x1  }
0x99: {  	s19 =	simm.s32 $_scs_section_size  }
0x9a: {  	s4 =	simm.s32 $_size__tile_overlayer_lowered;
	s5 =	simm.s32 $_tile_overlayer_lowered  }
0x9b: {  	s22 =	simm.s32 $0x1BFF;
	s21 =	sshll.u32 s5, $0x1;
	s2 =	sadd.s32 s19, s18  }
0x9c: {  	s6 =	simm.s32 $0x0;
	s20 =	sshll.u32 s4, $0x1;
	s4 =	sadd.s32 s21, s2  }
0x9d: {  	[timem:s6], [sflag:s22] =	dma.local [hbm:s4], s20  }
0x9e: {  	_ =	swait.ge [sflag:s22], s20  }
0x9f: {  	s3 =	ssub.s32 $0x0, s20;
	[sflag:s22] =	ssyncset.done $0x0  }
0xa0: {  	[sflag:s22] =	ssyncadd.s32 s3;
	_ =	sdelay $0x1  }
0xa1: {  	s23 =	simm.s32 $0x1B8B  }
0xa2: {  	_ =	swait.ge [sflag:s23], $0x1  }
0xa3: {  	[sflag:s23] =	ssyncset.done $0x0  }
0xa4: {  	s25 =	simm.s32 $0x1B8E;
	s24 =	sld [smem:$0x3FFE];
	[sflag:s23] =	ssyncadd.s32 $0xFFFFFFFF  }
0xa5: {  	s26 =	simm.s32 $execute0_lowered;
	[smem:$0x3FD2] =	sst s25  }
0xa6: {  	s4 =	sshll.u32 s26, $0x1;
	_ =	strace $0x80000046;
	[dreg:$0x1] =	wrdreg $0xFFFFFFFF  }
0xa7: {  	s28 =	simm.s32 $_size_execute0_lowered;
	s2 =	sadd.s32 s2, s4;
	[dreg:$0x0] =	wrdreg $0x0  }
0xa8: {  	s4 =	sshll.u32 s28, $0x1;
	[dreg:$0x2] =	wrdreg s2  }
0xa9: {  	[dreg:$0x3] =	wrdreg s4  }
0xaa: {  	[dreg:$0x4] =	wrdreg $0xC0  }
0xab: {  	_ =	task [dreg:s6], $0x5FFFF  }
0xac: {  	[dreg:$0x1] =	wrdreg $0xFFFFFFFF  }
0xad: {  	[dreg:$0x0] =	wrdreg $0x60  }
0xae: {  	[dreg:$0x2] =	wrdreg s24  }
0xaf: {  	[dreg:$0x3] =	wrdreg $0x9  }
0xb0: {  	_ =	task.clear_ibuf [dreg:s6], $0x4FFFF;
	_ =	strace $0x90000046  }
0xb1: {  	s29 =	simm.s32 $0x9;
	_ =	strace $0x80000048  }
0xb2: {  	_ =	swait.ge [sflag:s29], $0x1  }
0xb3: {  	[sflag:s29] =	ssyncadd.s32 $0xFFFFFFFF  }
0xb4: {  	_ =	strace $0x90000048  }
0xb5: {  	_ =	sfence  }
0xb6: {  	s30 =	sld [smem:$0x0];
	_ =	sdelay $0x2  }
0xb7: {  	s31 =	sshll.u32 s1, $0xD;
	s1 =	sshrl.u32 s1, $0x2  }
0xb8: {  	s3 =	sand.u32 $0x4000, s31;
	s1 =	sadd.s32 s1, s30  }
0xb9: {  	s0 =	sor.u32 s3, s0;
	s1 =	sshll.u32 s1, $0x11  }
0xba: {  	s0 =	sor.u32 s1, s0  }
0xbb: {  	s0 =	sadd.s32 $0x8F2B, s0  }
0xbc: {  	[sflag:s0] =	ssyncadd.remote.s32 $0x1  }
0xbd: {  	_ =	sfence.sel $0xFFFF  }
0xbe: {  	[dreg:$0x0] =	wrdreg $0xFFFFFFFF;
	(pc) =	sbr.abs _section_cstart, $3  }
0xbf: {  	[dreg:$0x1] =	wrdreg $0xFFFFFFFF  }
0xc0: {  	_ =	task.clear_ibuf [dreg:s6], $0x2FFFF;
	_ =	strace $0x9FFFFFFF  }
0xc1: {  	(tm) =	ssettm $0x7FFFFFFF  }
tec
execute0_lowered:
.L_overlay_start_1:
0x0: {  	(tag) =	ssettag $0x1  }
0x1: {  	s1 =	srdreg.scid;
	s0 =	stileid.u32  }
0x2: {  	s5 =	rddreg [dreg:$0x0];
	s2 =	simm.s32 $0x0;
	s14 =	simm.s32 $0x5400  }
0x3: {  	s15 =	simm.s32 $0x6400;
	s16 =	simm.s32 $0x1;
	s17 =	simm.s32 $0x2  }
0x4: {  	s18 =	simm.s32 $0x3;
	s19 =	simm.s32 $0x4;
	s20 =	simm.s32 $0x0  }
0x5: {  	s4 =	sand.u32 $0x1, s1;
	s1 =	rddreg [dreg:$0x1];
	s6 =	smul.u32 $0xD0000, s0  }
0x6: {  	s29 =	sshll.u32 s0, $0x1;
	[smem:$0x7FF] =	sst s2;
	s7 =	smul.u32 $0x6800, s0  }
0x7: {  	s13 =	sadd.s32 $0x3E5E00, s5;
	s9 =	ssub.s32 $0x2, s4;
	s10 =	smul.u32 $0x3400, s4  }
0x8: {  	s3 =	sor.u32 s4, s29;
	s12 =	smul.u32 $0x68000, s4;
	s11 =	sshrl.u32 s9, $0x1  }
0x9: {  	_ =	strace $0x80000047;
	s3 =	smul.u32 $0x3400, s3;
	s30 =	ssub.s32 s9, s11  }
0xa: {  	s7 =	sadd.s32 s10, s7;
	s6 =	sadd.s32 s12, s6;
	s10 =	simm.s32 $0x5  }
0xb: {  	s11 =	simm.s32 $0x80;
	s12 =	simm.s32 $0x3400;
	s3 =	sshrl.u32 s3, $0x3  }
0xc: {  	s7 =	sshll.u32 s7, $0x2;
	s6 =	sshrl.u32 s6, $0x3;
	s8 =	sadd.s32 s3, s5  }
0xd: {  	s3 =	sadd.s32 $0xE00, s5;
	s5 =	smax.u32 s30, $0x1;
	s31 =	sadd.s32 s7, s13  }
0xe: {  	s6 =	sadd.s32 s6, s13;
	s13 =	simm.s32 $0x4400;
	s4 =	sadd.s32 $0x3D8E00, s8  }
0xf: {  	s7 =	sadd.s32 $0x400, s31;
	s8 =	sadd.s32 $0x200, s31;
	s9 =	sadd.s32 $0x600, s31  }
.LBB2_1:
0x10: {  	[tilespmem:s2], [sflag:$0x5] =	stream.linear.gather [hbm4b:s4+s2], $0x3400, $0x38;
	[tilespmem:$0x7400] =	vst v63  }
0x11: {  	_ =	swait.ge [sflag:s10], $0x3400  }
0x12: {  	[sflag:s10] =	ssyncset.done $0x0  }
0x13: {  	s21 =	simm.s32 $0x0;
	[sflag:s10] =	ssyncadd.s32 $0xFFFFCC00  }
0x14: {  	[tilespmem:s12], [sflag:$0x1] =	stream.indirect.gather [hbm4b:s3+s11], $0x20, s21, s11, $0xb8;
	[tilespmem:$0x7400] =	vst v63  }
0x15: {  	s24 =	simm.s32 $0x80  }
0x16: {  	[tilespmem:s13], [sflag:$0x2] =	stream.indirect.gather [hbm4b:s3+s11], $0x20, s24, s11, $0xb8;
	[tilespmem:$0x7400] =	vst v63  }
0x17: {  	s25 =	simm.s32 $0x100  }
0x18: {  	[tilespmem:s14], [sflag:$0x3] =	stream.indirect.gather [hbm4b:s3+s11], $0x20, s25, s11, $0xb8;
	[tilespmem:$0x7400] =	vst v63  }
0x19: {  	s26 =	simm.s32 $0x180  }
0x1a: {  	[tilespmem:s15], [sflag:$0x4] =	stream.indirect.gather [hbm4b:s3+s11], $0x20, s26, s11, $0xb8;
	[tilespmem:$0x7400] =	vst v63  }
0x1b: {  	_ =	swait.ge [sflag:s16], $0x1000  }
0x1c: {  	[sflag:s16] =	ssyncset.done $0x0  }
0x1d: {  	s28 =	sadd.s32 $0x0, s6;
	[sflag:s16] =	ssyncadd.s32 $0xFFFFF000  }
0x1e: {  	[hbm4b:s28+s2] =	stream.linear.scatter [tilespmem:s12], [sflag:$0x5], $0x1000, $0x38;
	[tilespmem:$0x7400] =	vst v63  }
0x1f: {  	_ =	swait.ge [sflag:s10], $0x1000  }
0x20: {  	[sflag:s10] =	ssyncset.done $0x0  }
0x21: {  	[sflag:s10] =	ssyncadd.s32 $0xFFFFF000  }
0x22: {  	_ =	swait.ge [sflag:s17], $0x1000  }
0x23: {  	[sflag:s17] =	ssyncset.done $0x0  }
0x24: {  	s29 =	sadd.s32 $0x0, s8;
	[sflag:s17] =	ssyncadd.s32 $0xFFFFF000  }
0x25: {  	[hbm4b:s29+s2] =	stream.linear.scatter [tilespmem:s13], [sflag:$0x5], $0x1000, $0x38;
	[tilespmem:$0x7400] =	vst v63  }
0x26: {  	_ =	swait.ge [sflag:s10], $0x1000  }
0x27: {  	[sflag:s10] =	ssyncset.done $0x0  }
0x28: {  	[sflag:s10] =	ssyncadd.s32 $0xFFFFF000  }
0x29: {  	_ =	swait.ge [sflag:s18], $0x1000  }
0x2a: {  	[sflag:s18] =	ssyncset.done $0x0  }
0x2b: {  	s30 =	sadd.s32 $0x0, s7;
	[sflag:s18] =	ssyncadd.s32 $0xFFFFF000  }
0x2c: {  	[hbm4b:s30+s2] =	stream.linear.scatter [tilespmem:s14], [sflag:$0x5], $0x1000, $0x38;
	[tilespmem:$0x7400] =	vst v63  }
0x2d: {  	_ =	swait.ge [sflag:s10], $0x1000  }
0x2e: {  	[sflag:s10] =	ssyncset.done $0x0  }
0x2f: {  	[sflag:s10] =	ssyncadd.s32 $0xFFFFF000  }
0x30: {  	_ =	swait.ge [sflag:s19], $0x1000  }
0x31: {  	[sflag:s19] =	ssyncset.done $0x0  }
0x32: {  	s31 =	sadd.s32 $0x0, s9;
	[sflag:s19] =	ssyncadd.s32 $0xFFFFF000  }
0x33: {  	[hbm4b:s31+s2] =	stream.linear.scatter [tilespmem:s15], [sflag:$0x5], $0x1000, $0x38;
	[tilespmem:$0x7400] =	vst v63  }
0x34: {  	_ =	swait.ge [sflag:s10], $0x1000  }
0x35: {  	s21 =	simm.s32 $0x800;
	s24 =	simm.s32 $0x1000;
	[sflag:s10] =	ssyncset.done $0x0  }
.LBB2_2:
0x36: {  	s25 =	sshra.s32 s21, $0x2  }
0x37: {  	[sflag:s10] =	ssyncadd.s32 $0xFFFFF000;
	s23 =	smov.u32 s24;
	s22 =	sadd.s32 $0x800, s24  }
0x38: {  	[tilespmem:s12], [sflag:$0x1] =	stream.indirect.gather [hbm4b:s3+s11], $0x20, s25, s11, $0xb8;
	[tilespmem:$0x7400] =	vst v63  }
0x39: {  	p0 =	sne.s32 s24, $0xC800;
	s24 =	sadd.s32 $0x80, s25  }
0x3a: {  	[tilespmem:s13], [sflag:$0x2] =	stream.indirect.gather [hbm4b:s3+s11], $0x20, s24, s11, $0xb8;
	[tilespmem:$0x7400] =	vst v63  }
0x3b: {  	s24 =	sadd.s32 $0x100, s25  }
0x3c: {  	[tilespmem:s14], [sflag:$0x3] =	stream.indirect.gather [hbm4b:s3+s11], $0x20, s24, s11, $0xb8;
	[tilespmem:$0x7400] =	vst v63  }
0x3d: {  	s24 =	sadd.s32 $0x180, s25  }
0x3e: {  	[tilespmem:s15], [sflag:$0x4] =	stream.indirect.gather [hbm4b:s3+s11], $0x20, s24, s11, $0xb8;
	[tilespmem:$0x7400] =	vst v63  }
0x3f: {  	_ =	swait.ge [sflag:s16], $0x1000  }
0x40: {  	[sflag:s16] =	ssyncset.done $0x0  }
0x41: {  	s24 =	sadd.s32 s21, s6;
	[sflag:s16] =	ssyncadd.s32 $0xFFFFF000  }
0x42: {  	[hbm4b:s24+s2] =	stream.linear.scatter [tilespmem:s12], [sflag:$0x5], $0x1000, $0x38;
	[tilespmem:$0x7400] =	vst v63  }
0x43: {  	_ =	swait.ge [sflag:s10], $0x1000  }
0x44: {  	[sflag:s10] =	ssyncset.done $0x0  }
0x45: {  	[sflag:s10] =	ssyncadd.s32 $0xFFFFF000  }
0x46: {  	_ =	swait.ge [sflag:s17], $0x1000  }
0x47: {  	[sflag:s17] =	ssyncset.done $0x0  }
0x48: {  	s24 =	sadd.s32 s21, s8;
	[sflag:s17] =	ssyncadd.s32 $0xFFFFF000  }
0x49: {  	[hbm4b:s24+s2] =	stream.linear.scatter [tilespmem:s13], [sflag:$0x5], $0x1000, $0x38;
	[tilespmem:$0x7400] =	vst v63  }
0x4a: {  	_ =	swait.ge [sflag:s10], $0x1000  }
0x4b: {  	[sflag:s10] =	ssyncset.done $0x0  }
0x4c: {  	[sflag:s10] =	ssyncadd.s32 $0xFFFFF000  }
0x4d: {  	_ =	swait.ge [sflag:s18], $0x1000  }
0x4e: {  	[sflag:s18] =	ssyncset.done $0x0  }
0x4f: {  	s24 =	sadd.s32 s21, s7;
	[sflag:s18] =	ssyncadd.s32 $0xFFFFF000  }
0x50: {  	[hbm4b:s24+s2] =	stream.linear.scatter [tilespmem:s14], [sflag:$0x5], $0x1000, $0x38;
	[tilespmem:$0x7400] =	vst v63  }
0x51: {  	_ =	swait.ge [sflag:s10], $0x1000  }
0x52: {  	[sflag:s10] =	ssyncset.done $0x0  }
0x53: {  	[sflag:s10] =	ssyncadd.s32 $0xFFFFF000  }
0x54: {  	_ =	swait.ge [sflag:s19], $0x1000  }
.Ltmp0:
0x55: {  	[sflag:s19] =	ssyncset.done $0x0;
	(pc) =	sbr.rel @p0 .LBB2_2-.Ltmp0, $4  }
0x56: {  	s24 =	sadd.s32 s21, s9;
	s21 =	smov.u32 s23;
	[sflag:s19] =	ssyncadd.s32 $0xFFFFF000  }
0x57: {  	[hbm4b:s24+s2] =	stream.linear.scatter [tilespmem:s15], [sflag:$0x5], $0x1000, $0x38;
	[tilespmem:$0x7400] =	vst v63  }
0x58: {  	_ =	swait.ge [sflag:s10], $0x1000  }
0x59: {  	s24 =	smov.u32 s22;
	[sflag:s10] =	ssyncset.done $0x0  }
0x5a: {  	s22 =	sshra.s32 s21, $0x2;
	[sflag:s10] =	ssyncadd.s32 $0xFFFFF000  }
0x5b: {  	[tilespmem:s12], [sflag:$0x1] =	stream.indirect.gather [hbm4b:s3+s11], $0x20, s22, s11, $0xb8;
	[tilespmem:$0x7400] =	vst v63  }
0x5c: {  	s23 =	sadd.s32 $0x80, s22  }
0x5d: {  	[tilespmem:s13], [sflag:$0x2] =	stream.indirect.gather [hbm4b:s3+s11], $0x20, s23, s11, $0xb8;
	[tilespmem:$0x7400] =	vst v63  }
0x5e: {  	s26 =	sadd.s32 $0x100, s22  }
0x5f: {  	[tilespmem:s14], [sflag:$0x3] =	stream.indirect.gather [hbm4b:s3+s11], $0x20, s26, s11, $0xb8;
	[tilespmem:$0x7400] =	vst v63  }
0x60: {  	s22 =	sadd.s32 $0x180, s22  }
0x61: {  	[tilespmem:s15], [sflag:$0x4] =	stream.indirect.gather [hbm4b:s3+s11], $0x20, s22, s11, $0xb8;
	[tilespmem:$0x7400] =	vst v63  }
0x62: {  	_ =	swait.ge [sflag:s16], $0x1000  }
0x63: {  	[sflag:s16] =	ssyncset.done $0x0  }
0x64: {  	s28 =	sadd.s32 s21, s6;
	[sflag:s16] =	ssyncadd.s32 $0xFFFFF000  }
0x65: {  	[hbm4b:s28+s2] =	stream.linear.scatter [tilespmem:s12], [sflag:$0x5], $0x1000, $0x38;
	[tilespmem:$0x7400] =	vst v63  }
0x66: {  	_ =	swait.ge [sflag:s10], $0x1000  }
0x67: {  	[sflag:s10] =	ssyncset.done $0x0  }
0x68: {  	[sflag:s10] =	ssyncadd.s32 $0xFFFFF000  }
0x69: {  	_ =	swait.ge [sflag:s17], $0x1000  }
0x6a: {  	[sflag:s17] =	ssyncset.done $0x0  }
0x6b: {  	s29 =	sadd.s32 s21, s8;
	[sflag:s17] =	ssyncadd.s32 $0xFFFFF000  }
0x6c: {  	[hbm4b:s29+s2] =	stream.linear.scatter [tilespmem:s13], [sflag:$0x5], $0x1000, $0x38;
	[tilespmem:$0x7400] =	vst v63  }
0x6d: {  	_ =	swait.ge [sflag:s10], $0x1000  }
0x6e: {  	[sflag:s10] =	ssyncset.done $0x0  }
0x6f: {  	[sflag:s10] =	ssyncadd.s32 $0xFFFFF000  }
0x70: {  	_ =	swait.ge [sflag:s18], $0x1000  }
0x71: {  	[sflag:s18] =	ssyncset.done $0x0  }
0x72: {  	s30 =	sadd.s32 s21, s7;
	[sflag:s18] =	ssyncadd.s32 $0xFFFFF000  }
0x73: {  	[hbm4b:s30+s2] =	stream.linear.scatter [tilespmem:s14], [sflag:$0x5], $0x1000, $0x38;
	[tilespmem:$0x7400] =	vst v63  }
0x74: {  	_ =	swait.ge [sflag:s10], $0x1000  }
0x75: {  	[sflag:s10] =	ssyncset.done $0x0  }
0x76: {  	[sflag:s10] =	ssyncadd.s32 $0xFFFFF000  }
0x77: {  	s20 =	sadd.s32 $0x1, s20;
	_ =	swait.ge [sflag:s19], $0x1000  }
0x78: {  	p0 =	sne.s32 s20, s5;
	[sflag:s19] =	ssyncset.done $0x0  }
.Ltmp1:
0x79: {  	s31 =	sadd.s32 s21, s9;
	[sflag:s19] =	ssyncadd.s32 $0xFFFFF000;
	(pc) =	sbr.rel @p0 .LBB2_1-.Ltmp1, $4  }
0x7a: {  	[hbm4b:s31+s2] =	stream.linear.scatter [tilespmem:s15], [sflag:$0x5], $0x1000, $0x38;
	[tilespmem:$0x7400] =	vst v63  }
0x7b: {  	_ =	swait.ge [sflag:s10], $0x1000  }
0x7c: {  	[sflag:s10] =	ssyncset.done $0x0  }
0x7d: {  	[sflag:s10] =	ssyncadd.s32 $0xFFFFF000  }
0x7e: {  	_ =	sfence.sel $0x180000  }
0x7f: {  	[bflag:$0x0] =	sbarrier.arrive $0xFFFF  }
0x80: {  	p0 =	sne.s32 s0, $0x0;
	_ =	strace $0x90000047  }
0x81: {  	s0 =	sadd.s32 @!p0 $0x100000, s1;
	[bflag:$0x2] =	sbarrier.arrive $0xFFFF  }
0x82: {  	[sflag:s0] =	ssyncadd.tile.s32 @!p0 $0x1;
	_ =	shalt  }
.Lfunc_end2:
_tile_overlayer_lowered:
.L_overlay_start_2:
0x83: {  	(tag) =	ssettag $0x2  }
0x84: {  	s0 =	rddreg [dreg:$0x0];
	s2 =	stileid.u32  }
0x85: {  	s1 =	rddreg [dreg:$0x1];
	p0 =	sne.s32 s2, $0x0  }
0x86: {  	s3 =	rddreg [dreg:$0x2];
	[bflag:$0x3] =	sbarrier.arrive $0xFFFF;
	s2 =	simm.s32 @!p0 $0x1C05  }
0x87: {  	[timem:s3], [sflag:s2] =	dma.local @!p0 [hbm:s0], s1  }
0x88: {  	s0 =	simm.s32 @!p0 $0x5  }
0x89: {  	_ =	swait.ge @!p0 [sflag:s0], s1  }
0x8a: {  	s1 =	ssub.s32 @!p0 $0x0, s1;
	[sflag:s0] =	ssyncset.done @!p0 $0x0  }
0x8b: {  	[sflag:s0] =	ssyncadd.s32 @!p0 s1  }
0x8c: {  	[bflag:$0x3] =	sbarrier.arrive $0xFFFF  }
0x8d: {  	_ =	shalt  }

</sc_bundles>
